<compile_context>
chip_gen: v7x
topology: tpu7x:2x2x1
jax: 0.10.2.dev20260603
libtpu: 0.0.44.dev20260713+nightly
codegen_flags: <defaults>
</compile_context>

<pallas_src>
import functools

import jax
import jax.numpy as jnp
from jax import lax
from jax.experimental import pallas as pl
from jax.experimental.pallas import tpu as pltpu
from jax.experimental.pallas import tpu_sc as plsc

_ROWS = 128
_COLS = 32768
_W = 16
_RIGHT0 = 16384
_NV = 1024.0
_SLAB = 128
_NWORKERS = 32
_RPW = _ROWS // _NWORKERS
_NBUF = 3


def _mix_copy_body(x_ref, y_ref, a_v, b_v, *rest):
    bufs, isems, osems = rest[:_NBUF], rest[_NBUF:2 * _NBUF], rest[2 * _NBUF:]
    wid = lax.axis_index("s") * 2 + lax.axis_index("c")
    r0 = wid * _RPW
    rows = pl.ds(r0, _RPW)

    def in_copy(c):
        return pltpu.make_async_copy(
            x_ref.at[0, pl.ds(r0 + c, 1), :], bufs[c % _NBUF],
            isems[c % _NBUF])

    def out_copy(c):
        return pltpu.make_async_copy(
            bufs[c % _NBUF], y_ref.at[pl.ds(r0 + c, 1), :],
            osems[c % _NBUF])

    for c in range(_NBUF):
        in_copy(c).start()
    pltpu.sync_copy(x_ref.at[0, rows, pl.ds(0, _SLAB)], a_v)
    pltpu.sync_copy(x_ref.at[0, rows, pl.ds(_RIGHT0, _SLAB)], b_v)
    for i in range(_RPW):
        a = a_v[i, pl.ds(0, _W)]
        b = b_v[i, pl.ds(0, _W)]
        a_v[i, pl.ds(0, _W)] = jnp.mod(a + b, _NV) + 1.0
        b_v[i, pl.ds(0, _W)] = jnp.mod(_NV + a - b, _NV) + 1.0

    for c in range(_RPW):
        in_copy(c).wait()
        buf = bufs[c % _NBUF]
        buf[0, pl.ds(0, _W)] = a_v[c, pl.ds(0, _W)]
        buf[0, pl.ds(_RIGHT0, _W)] = b_v[c, pl.ds(0, _W)]
        out_copy(c).start()
        if c + _NBUF < _RPW:
            out_copy(c).wait()
            in_copy(c + _NBUF).start()
    for c in range(max(0, _RPW - _NBUF), _RPW):
        out_copy(c).wait()


_mix_copy = functools.partial(
    pl.kernel,
    out_type=jax.ShapeDtypeStruct((_ROWS, _COLS), jnp.float32),
    mesh=plsc.VectorSubcoreMesh(core_axis_name="c", subcore_axis_name="s"),
    scratch_types=(
        [pltpu.VMEM((_RPW, _SLAB), jnp.float32)] * 2
        + [pltpu.VMEM((1, _COLS), jnp.float32)] * _NBUF
        + [pltpu.SemaphoreType.DMA] * (2 * _NBUF)
    ),
)(_mix_copy_body)


def kernel(x):
    y0 = _mix_copy(x)
    return (y0, x[1], x[2])

# --- scband reference (transcript-rebuilt; emitter-appended) ---
"""Pipeline reference for scband-language-mixer-19731079758016 (READ-ONLY COPY).

The authoritative reference and input builder live on the scoring server;
editing this copy changes nothing except your own understanding.
"""

import jax, jax.numpy as jnp
import numpy as np

POSITIONS = [[0, 16384], [1, 16385], [2, 16386], [3, 16387], [4, 16388], [5, 16389], [6, 16390], [7, 16391], [8, 16392], [9, 16393], [10, 16394], [11, 16395], [12, 16396], [13, 16397], [14, 16398], [15, 16399]]
N_VALUES = 1024


def setup_inputs(seed: int = 0) -> dict:
    key = jax.random.key(seed)
    x = jax.random.uniform(key, (3, 128, 32768), dtype=jnp.float32)
    return {"x": x}


def reference(x):
    inp = x[0]
    mixed = inp - 1.0
    for left, right in POSITIONS:
        tmp_left = jnp.mod(inp[:, left] + inp[:, right], N_VALUES)
        tmp_right = jnp.mod(N_VALUES + inp[:, left] - inp[:, right], N_VALUES)
        mixed = mixed.at[:, left].set(tmp_left)
        mixed = mixed.at[:, right].set(tmp_right)
    return (mixed + 1.0, x[1], x[2])

if __name__ == "__main__":
    import jax
    _d = setup_inputs()
    print(jax.jit(kernel)(*tuple(_d.values())))

</pallas_src>

<mosaic_0001>
#map = affine_map<(d0, d1) -> (0, 0, 0)>
#map1 = affine_map<(d0, d1) -> (0, 0)>
module attributes {stable_mosaic.version = 14 : i64} {
  func.func @_mix_copy_body(%arg0: i32, %arg1: i32, %arg2: memref<3x128x32768xf32, #tpu.memory_space<hbm>>, %arg3: memref<128x32768xf32, #tpu.memory_space<hbm>>, %arg4: memref<4x128xf32, #tpu.memory_space<vmem>>, %arg5: memref<4x128xf32, #tpu.memory_space<vmem>>, %arg6: memref<1x32768xf32, #tpu.memory_space<vmem>>, %arg7: memref<1x32768xf32, #tpu.memory_space<vmem>>, %arg8: memref<1x32768xf32, #tpu.memory_space<vmem>>, %arg9: memref<!tpu.dma_semaphore, #tpu.memory_space<semaphore_mem>>, %arg10: memref<!tpu.dma_semaphore, #tpu.memory_space<semaphore_mem>>, %arg11: memref<!tpu.dma_semaphore, #tpu.memory_space<semaphore_mem>>, %arg12: memref<!tpu.dma_semaphore, #tpu.memory_space<semaphore_mem>>, %arg13: memref<!tpu.dma_semaphore, #tpu.memory_space<semaphore_mem>>, %arg14: memref<!tpu.dma_semaphore, #tpu.memory_space<semaphore_mem>>) attributes {dimension_semantics = [#tpu.dimension_semantics<core_parallel>, #tpu.dimension_semantics<subcore_parallel>], iteration_bounds = array<i64: 2, 16>, scalar_prefetch = 0 : i64, scratch_operands = 11 : i64, tpu.core_type = #tpu.core_type<sc_vector_subcore>, window_params = [{transform_indices = #map}, {transform_indices = #map1}]} {
    %mul3A = arith.constant 2 : i32
    %mul3A_0 = arith.muli %arg1, %mul3A : i32
    %add3A = arith.addi %mul3A_0, %arg0 : i32
    %mul3A_1 = arith.constant 4 : i32
    %mul3A_2 = arith.muli %add3A, %mul3A_1 : i32
    %add3A_3 = arith.constant 0 : i32
    %add3A_4 = arith.addi %mul3A_2, %add3A_3 : i32
    %dma_start3A = arith.constant 0 : i32
    %dma_start3A_5 = arith.constant 0 : i32
    %dma_start3A_6 = tpu.memref_slice %arg2[%dma_start3A, %add3A_4, %dma_start3A_5] : memref<3x128x32768xf32, #tpu.memory_space<hbm>> -> memref<1x1x32768xf32, #tpu.memory_space<hbm>>
    %dma_start3A_7 = tpu.memref_squeeze %dma_start3A_6 : memref<1x1x32768xf32, #tpu.memory_space<hbm>> -> memref<1x32768xf32, #tpu.memory_space<hbm>>
    %dma_start3A_8 = arith.constant 0 : i32
    %dma_start3A_9 = tpu.memref_slice %arg2[%dma_start3A, %add3A_4, %dma_start3A_8] : memref<3x128x32768xf32, #tpu.memory_space<hbm>> -> memref<1x1x32768xf32, #tpu.memory_space<hbm>>
    %dma_start3A_10 = tpu.memref_squeeze %dma_start3A_9 : memref<1x1x32768xf32, #tpu.memory_space<hbm>> -> memref<1x32768xf32, #tpu.memory_space<hbm>>
    tpu.enqueue_dma source(%dma_start3A_10 : memref<1x32768xf32, #tpu.memory_space<hbm>>) target(%arg6 : memref<1x32768xf32, #tpu.memory_space<vmem>>) target_semaphore(%arg9 : memref<!tpu.dma_semaphore, #tpu.memory_space<semaphore_mem>>)
    %add3A_11 = arith.constant 1 : i32
    %add3A_12 = arith.addi %mul3A_2, %add3A_11 : i32
    %dma_start3A_13 = arith.constant 0 : i32
    %dma_start3A_14 = arith.constant 0 : i32
    %dma_start3A_15 = tpu.memref_slice %arg2[%dma_start3A_13, %add3A_12, %dma_start3A_14] : memref<3x128x32768xf32, #tpu.memory_space<hbm>> -> memref<1x1x32768xf32, #tpu.memory_space<hbm>>
    %dma_start3A_16 = tpu.memref_squeeze %dma_start3A_15 : memref<1x1x32768xf32, #tpu.memory_space<hbm>> -> memref<1x32768xf32, #tpu.memory_space<hbm>>
    %dma_start3A_17 = arith.constant 0 : i32
    %dma_start3A_18 = tpu.memref_slice %arg2[%dma_start3A_13, %add3A_12, %dma_start3A_17] : memref<3x128x32768xf32, #tpu.memory_space<hbm>> -> memref<1x1x32768xf32, #tpu.memory_space<hbm>>
    %dma_start3A_19 = tpu.memref_squeeze %dma_start3A_18 : memref<1x1x32768xf32, #tpu.memory_space<hbm>> -> memref<1x32768xf32, #tpu.memory_space<hbm>>
    tpu.enqueue_dma source(%dma_start3A_19 : memref<1x32768xf32, #tpu.memory_space<hbm>>) target(%arg7 : memref<1x32768xf32, #tpu.memory_space<vmem>>) target_semaphore(%arg10 : memref<!tpu.dma_semaphore, #tpu.memory_space<semaphore_mem>>)
    %add3A_20 = arith.constant 2 : i32
    %add3A_21 = arith.addi %mul3A_2, %add3A_20 : i32
    %dma_start3A_22 = arith.constant 0 : i32
    %dma_start3A_23 = arith.constant 0 : i32
    %dma_start3A_24 = tpu.memref_slice %arg2[%dma_start3A_22, %add3A_21, %dma_start3A_23] : memref<3x128x32768xf32, #tpu.memory_space<hbm>> -> memref<1x1x32768xf32, #tpu.memory_space<hbm>>
    %dma_start3A_25 = tpu.memref_squeeze %dma_start3A_24 : memref<1x1x32768xf32, #tpu.memory_space<hbm>> -> memref<1x32768xf32, #tpu.memory_space<hbm>>
    %dma_start3A_26 = arith.constant 0 : i32
    %dma_start3A_27 = tpu.memref_slice %arg2[%dma_start3A_22, %add3A_21, %dma_start3A_26] : memref<3x128x32768xf32, #tpu.memory_space<hbm>> -> memref<1x1x32768xf32, #tpu.memory_space<hbm>>
    %dma_start3A_28 = tpu.memref_squeeze %dma_start3A_27 : memref<1x1x32768xf32, #tpu.memory_space<hbm>> -> memref<1x32768xf32, #tpu.memory_space<hbm>>
    tpu.enqueue_dma source(%dma_start3A_28 : memref<1x32768xf32, #tpu.memory_space<hbm>>) target(%arg8 : memref<1x32768xf32, #tpu.memory_space<vmem>>) target_semaphore(%arg11 : memref<!tpu.dma_semaphore, #tpu.memory_space<semaphore_mem>>)
    %run_scoped3A = arith.constant 0 : i32
    "tpu.region"() ({
      %run_scoped3A_477 = tpu.sem_alloc : memref<!tpu.dma_semaphore, #tpu.memory_space<semaphore_mem>>
      %dma_start3A_478 = arith.constant 0 : i32
      %dma_start3A_479 = tpu.memref_slice %arg2[%run_scoped3A, %mul3A_2, %dma_start3A_478] : memref<3x128x32768xf32, #tpu.memory_space<hbm>> -> memref<1x4x128xf32, #tpu.memory_space<hbm>>
      %dma_start3A_480 = tpu.memref_squeeze %dma_start3A_479 : memref<1x4x128xf32, #tpu.memory_space<hbm>> -> memref<4x128xf32, #tpu.memory_space<hbm>>
      %dma_start3A_481 = arith.constant 0 : i32
      %dma_start3A_482 = tpu.memref_slice %arg2[%run_scoped3A, %mul3A_2, %dma_start3A_481] : memref<3x128x32768xf32, #tpu.memory_space<hbm>> -> memref<1x4x128xf32, #tpu.memory_space<hbm>>
      %dma_start3A_483 = tpu.memref_squeeze %dma_start3A_482 : memref<1x4x128xf32, #tpu.memory_space<hbm>> -> memref<4x128xf32, #tpu.memory_space<hbm>>
      tpu.enqueue_dma source(%dma_start3A_483 : memref<4x128xf32, #tpu.memory_space<hbm>>) target(%arg4 : memref<4x128xf32, #tpu.memory_space<vmem>>) target_semaphore(%run_scoped3A_477 : memref<!tpu.dma_semaphore, #tpu.memory_space<semaphore_mem>>)
      %dma_wait3A_484 = arith.constant 0 : i32
      %dma_wait3A_485 = tpu.memref_slice %arg2[%run_scoped3A, %mul3A_2, %dma_wait3A_484] : memref<3x128x32768xf32, #tpu.memory_space<hbm>> -> memref<1x4x128xf32, #tpu.memory_space<hbm>>
      %dma_wait3A_486 = tpu.memref_squeeze %dma_wait3A_485 : memref<1x4x128xf32, #tpu.memory_space<hbm>> -> memref<4x128xf32, #tpu.memory_space<hbm>>
      %dma_wait3A_487 = arith.constant 0 : i32
      %dma_wait3A_488 = tpu.memref_slice %arg2[%run_scoped3A, %mul3A_2, %dma_wait3A_487] : memref<3x128x32768xf32, #tpu.memory_space<hbm>> -> memref<1x4x128xf32, #tpu.memory_space<hbm>>
      %dma_wait3A_489 = tpu.memref_squeeze %dma_wait3A_488 : memref<1x4x128xf32, #tpu.memory_space<hbm>> -> memref<4x128xf32, #tpu.memory_space<hbm>>
      tpu.wait_dma2 semaphore(%run_scoped3A_477 : memref<!tpu.dma_semaphore, #tpu.memory_space<semaphore_mem>>) src(%dma_wait3A_489 : memref<4x128xf32, #tpu.memory_space<hbm>>) dst(%arg4 : memref<4x128xf32, #tpu.memory_space<vmem>>)
      tpu.yield
    }) : () -> ()
    %run_scoped3A_29 = arith.constant 0 : i32
    "tpu.region"() ({
      %run_scoped3A_477 = tpu.sem_alloc : memref<!tpu.dma_semaphore, #tpu.memory_space<semaphore_mem>>
      %dma_start3A_478 = arith.constant 16384 : i32
      %dma_start3A_479 = tpu.memref_slice %arg2[%run_scoped3A_29, %mul3A_2, %dma_start3A_478] : memref<3x128x32768xf32, #tpu.memory_space<hbm>> -> memref<1x4x128xf32, #tpu.memory_space<hbm>>
      %dma_start3A_480 = tpu.memref_squeeze %dma_start3A_479 : memref<1x4x128xf32, #tpu.memory_space<hbm>> -> memref<4x128xf32, #tpu.memory_space<hbm>>
      %dma_start3A_481 = arith.constant 16384 : i32
      %dma_start3A_482 = tpu.memref_slice %arg2[%run_scoped3A_29, %mul3A_2, %dma_start3A_481] : memref<3x128x32768xf32, #tpu.memory_space<hbm>> -> memref<1x4x128xf32, #tpu.memory_space<hbm>>
      %dma_start3A_483 = tpu.memref_squeeze %dma_start3A_482 : memref<1x4x128xf32, #tpu.memory_space<hbm>> -> memref<4x128xf32, #tpu.memory_space<hbm>>
      tpu.enqueue_dma source(%dma_start3A_483 : memref<4x128xf32, #tpu.memory_space<hbm>>) target(%arg5 : memref<4x128xf32, #tpu.memory_space<vmem>>) target_semaphore(%run_scoped3A_477 : memref<!tpu.dma_semaphore, #tpu.memory_space<semaphore_mem>>)
      %dma_wait3A_484 = arith.constant 16384 : i32
      %dma_wait3A_485 = tpu.memref_slice %arg2[%run_scoped3A_29, %mul3A_2, %dma_wait3A_484] : memref<3x128x32768xf32, #tpu.memory_space<hbm>> -> memref<1x4x128xf32, #tpu.memory_space<hbm>>
      %dma_wait3A_486 = tpu.memref_squeeze %dma_wait3A_485 : memref<1x4x128xf32, #tpu.memory_space<hbm>> -> memref<4x128xf32, #tpu.memory_space<hbm>>
      %dma_wait3A_487 = arith.constant 16384 : i32
      %dma_wait3A_488 = tpu.memref_slice %arg2[%run_scoped3A_29, %mul3A_2, %dma_wait3A_487] : memref<3x128x32768xf32, #tpu.memory_space<hbm>> -> memref<1x4x128xf32, #tpu.memory_space<hbm>>
      %dma_wait3A_489 = tpu.memref_squeeze %dma_wait3A_488 : memref<1x4x128xf32, #tpu.memory_space<hbm>> -> memref<4x128xf32, #tpu.memory_space<hbm>>
      tpu.wait_dma2 semaphore(%run_scoped3A_477 : memref<!tpu.dma_semaphore, #tpu.memory_space<semaphore_mem>>) src(%dma_wait3A_489 : memref<4x128xf32, #tpu.memory_space<hbm>>) dst(%arg5 : memref<4x128xf32, #tpu.memory_space<vmem>>)
      tpu.yield
    }) : () -> ()
    %get3A = arith.constant 0 : i32
    %get3A_30 = arith.index_cast %get3A : i32 to index
    %get3A_31 = arith.constant 0 : index
    %get3A_32 = tpu.vector_load %arg4[%get3A_30, %get3A_31] {strides = array<i32>} : memref<4x128xf32, #tpu.memory_space<vmem>>, vector<1x16xf32>,
    %get3A_33 = vector.shape_cast %get3A_32 : vector<1x16xf32> to vector<16xf32>
    %get3A_34 = arith.constant 0 : i32
    %get3A_35 = arith.index_cast %get3A_34 : i32 to index
    %get3A_36 = arith.constant 0 : index
    %get3A_37 = tpu.vector_load %arg5[%get3A_35, %get3A_36] {strides = array<i32>} : memref<4x128xf32, #tpu.memory_space<vmem>>, vector<1x16xf32>,
    %get3A_38 = vector.shape_cast %get3A_37 : vector<1x16xf32> to vector<16xf32>
    %add3A_39 = arith.addf %get3A_33, %get3A_38 : vector<16xf32>
    %jit3A = arith.constant 1.024000e+03 : f32
    %rem3A = vector.broadcast %jit3A : f32 to vector<16xf32>
    %rem3A_40 = arith.remf %add3A_39, %rem3A : vector<16xf32>
    %ne3A = arith.constant 0.000000e+00 : f32
    %ne3A_41 = vector.broadcast %ne3A : f32 to vector<16xf32>
    %ne3A_42 = arith.cmpf one, %rem3A_40, %ne3A_41 : vector<16xf32>
    %lt3A = arith.constant 0.000000e+00 : f32
    %lt3A_43 = vector.broadcast %lt3A : f32 to vector<16xf32>
    %lt3A_44 = arith.cmpf olt, %rem3A_40, %lt3A_43 : vector<16xf32>
    %lt3A_45 = arith.constant 0.000000e+00 : f32
    %lt3A_46 = arith.cmpf olt, %jit3A, %lt3A_45 : f32
    %ne3A_47 = vector.broadcast %lt3A_46 : i1 to vector<16xi1>
    %ne3A_48 = vector.broadcast %ne3A_47 : vector<16xi1> to vector<16xi1>
    %ne3A_49 = arith.xori %lt3A_44, %ne3A_48 : vector<16xi1>
    %and3A = arith.andi %ne3A_49, %ne3A_42 : vector<16xi1>
    %add3A_50 = vector.broadcast %jit3A : f32 to vector<16xf32>
    %add3A_51 = arith.addf %rem3A_40, %add3A_50 : vector<16xf32>
    %select_n3A = arith.select %and3A, %add3A_51, %rem3A_40 : vector<16xi1>, vector<16xf32>
    %add3A_52 = arith.constant 1.000000e+00 : f32
    %add3A_53 = vector.broadcast %add3A_52 : f32 to vector<16xf32>
    %add3A_54 = arith.addf %select_n3A, %add3A_53 : vector<16xf32>
    %swap3A = arith.constant 0 : i32
    %swap3A_55 = arith.index_cast %swap3A : i32 to index
    %swap3A_56 = arith.constant 0 : index
    %swap3A_57 = tpu.vector_load %arg4[%swap3A_55, %swap3A_56] {strides = array<i32>} : memref<4x128xf32, #tpu.memory_space<vmem>>, vector<1x16xf32>,
    %swap3A_58 = vector.shape_cast %swap3A_57 : vector<1x16xf32> to vector<16xf32>
    %swap3A_59 = vector.shape_cast %add3A_54 : vector<16xf32> to vector<1x16xf32>
    tpu.vector_store %arg4[%swap3A_55, %swap3A_56], %swap3A_59 {strides = array<i32>} : memref<4x128xf32, #tpu.memory_space<vmem>>, vector<1x16xf32>,
    %add3A_60 = arith.constant 1.024000e+03 : f32
    %add3A_61 = vector.broadcast %add3A_60 : f32 to vector<16xf32>
    %add3A_62 = arith.addf %add3A_61, %get3A_33 : vector<16xf32>
    %sub3A = arith.subf %add3A_62, %get3A_38 : vector<16xf32>
    %jit3A_63 = arith.constant 1.024000e+03 : f32
    %rem3A_64 = vector.broadcast %jit3A_63 : f32 to vector<16xf32>
    %rem3A_65 = arith.remf %sub3A, %rem3A_64 : vector<16xf32>
    %ne3A_66 = arith.constant 0.000000e+00 : f32
    %ne3A_67 = vector.broadcast %ne3A_66 : f32 to vector<16xf32>
    %ne3A_68 = arith.cmpf one, %rem3A_65, %ne3A_67 : vector<16xf32>
    %lt3A_69 = arith.constant 0.000000e+00 : f32
    %lt3A_70 = vector.broadcast %lt3A_69 : f32 to vector<16xf32>
    %lt3A_71 = arith.cmpf olt, %rem3A_65, %lt3A_70 : vector<16xf32>
    %lt3A_72 = arith.constant 0.000000e+00 : f32
    %lt3A_73 = arith.cmpf olt, %jit3A_63, %lt3A_72 : f32
    %ne3A_74 = vector.broadcast %lt3A_73 : i1 to vector<16xi1>
    %ne3A_75 = vector.broadcast %ne3A_74 : vector<16xi1> to vector<16xi1>
    %ne3A_76 = arith.xori %lt3A_71, %ne3A_75 : vector<16xi1>
    %and3A_77 = arith.andi %ne3A_76, %ne3A_68 : vector<16xi1>
    %add3A_78 = vector.broadcast %jit3A_63 : f32 to vector<16xf32>
    %add3A_79 = arith.addf %rem3A_65, %add3A_78 : vector<16xf32>
    %select_n3A_80 = arith.select %and3A_77, %add3A_79, %rem3A_65 : vector<16xi1>, vector<16xf32>
    %add3A_81 = arith.constant 1.000000e+00 : f32
    %add3A_82 = vector.broadcast %add3A_81 : f32 to vector<16xf32>
    %add3A_83 = arith.addf %select_n3A_80, %add3A_82 : vector<16xf32>
    %swap3A_84 = arith.constant 0 : i32
    %swap3A_85 = arith.index_cast %swap3A_84 : i32 to index
    %swap3A_86 = arith.constant 0 : index
    %swap3A_87 = tpu.vector_load %arg5[%swap3A_85, %swap3A_86] {strides = array<i32>} : memref<4x128xf32, #tpu.memory_space<vmem>>, vector<1x16xf32>,
    %swap3A_88 = vector.shape_cast %swap3A_87 : vector<1x16xf32> to vector<16xf32>
    %swap3A_89 = vector.shape_cast %add3A_83 : vector<16xf32> to vector<1x16xf32>
    tpu.vector_store %arg5[%swap3A_85, %swap3A_86], %swap3A_89 {strides = array<i32>} : memref<4x128xf32, #tpu.memory_space<vmem>>, vector<1x16xf32>,
    %get3A_90 = arith.constant 1 : i32
    %get3A_91 = arith.index_cast %get3A_90 : i32 to index
    %get3A_92 = arith.constant 0 : index
    %get3A_93 = tpu.vector_load %arg4[%get3A_91, %get3A_92] {strides = array<i32>} : memref<4x128xf32, #tpu.memory_space<vmem>>, vector<1x16xf32>,
    %get3A_94 = vector.shape_cast %get3A_93 : vector<1x16xf32> to vector<16xf32>
    %get3A_95 = arith.constant 1 : i32
    %get3A_96 = arith.index_cast %get3A_95 : i32 to index
    %get3A_97 = arith.constant 0 : index
    %get3A_98 = tpu.vector_load %arg5[%get3A_96, %get3A_97] {strides = array<i32>} : memref<4x128xf32, #tpu.memory_space<vmem>>, vector<1x16xf32>,
    %get3A_99 = vector.shape_cast %get3A_98 : vector<1x16xf32> to vector<16xf32>
    %add3A_100 = arith.addf %get3A_94, %get3A_99 : vector<16xf32>
    %jit3A_101 = arith.constant 1.024000e+03 : f32
    %rem3A_102 = vector.broadcast %jit3A_101 : f32 to vector<16xf32>
    %rem3A_103 = arith.remf %add3A_100, %rem3A_102 : vector<16xf32>
    %ne3A_104 = arith.constant 0.000000e+00 : f32
    %ne3A_105 = vector.broadcast %ne3A_104 : f32 to vector<16xf32>
    %ne3A_106 = arith.cmpf one, %rem3A_103, %ne3A_105 : vector<16xf32>
    %lt3A_107 = arith.constant 0.000000e+00 : f32
    %lt3A_108 = vector.broadcast %lt3A_107 : f32 to vector<16xf32>
    %lt3A_109 = arith.cmpf olt, %rem3A_103, %lt3A_108 : vector<16xf32>
    %lt3A_110 = arith.constant 0.000000e+00 : f32
    %lt3A_111 = arith.cmpf olt, %jit3A_101, %lt3A_110 : f32
    %ne3A_112 = vector.broadcast %lt3A_111 : i1 to vector<16xi1>
    %ne3A_113 = vector.broadcast %ne3A_112 : vector<16xi1> to vector<16xi1>
    %ne3A_114 = arith.xori %lt3A_109, %ne3A_113 : vector<16xi1>
    %and3A_115 = arith.andi %ne3A_114, %ne3A_106 : vector<16xi1>
    %add3A_116 = vector.broadcast %jit3A_101 : f32 to vector<16xf32>
    %add3A_117 = arith.addf %rem3A_103, %add3A_116 : vector<16xf32>
    %select_n3A_118 = arith.select %and3A_115, %add3A_117, %rem3A_103 : vector<16xi1>, vector<16xf32>
    %add3A_119 = arith.constant 1.000000e+00 : f32
    %add3A_120 = vector.broadcast %add3A_119 : f32 to vector<16xf32>
    %add3A_121 = arith.addf %select_n3A_118, %add3A_120 : vector<16xf32>
    %swap3A_122 = arith.constant 1 : i32
    %swap3A_123 = arith.index_cast %swap3A_122 : i32 to index
    %swap3A_124 = arith.constant 0 : index
    %swap3A_125 = tpu.vector_load %arg4[%swap3A_123, %swap3A_124] {strides = array<i32>} : memref<4x128xf32, #tpu.memory_space<vmem>>, vector<1x16xf32>,
    %swap3A_126 = vector.shape_cast %swap3A_125 : vector<1x16xf32> to vector<16xf32>
    %swap3A_127 = vector.shape_cast %add3A_121 : vector<16xf32> to vector<1x16xf32>
    tpu.vector_store %arg4[%swap3A_123, %swap3A_124], %swap3A_127 {strides = array<i32>} : memref<4x128xf32, #tpu.memory_space<vmem>>, vector<1x16xf32>,
    %add3A_128 = arith.constant 1.024000e+03 : f32
    %add3A_129 = vector.broadcast %add3A_128 : f32 to vector<16xf32>
    %add3A_130 = arith.addf %add3A_129, %get3A_94 : vector<16xf32>
    %sub3A_131 = arith.subf %add3A_130, %get3A_99 : vector<16xf32>
    %jit3A_132 = arith.constant 1.024000e+03 : f32
    %rem3A_133 = vector.broadcast %jit3A_132 : f32 to vector<16xf32>
    %rem3A_134 = arith.remf %sub3A_131, %rem3A_133 : vector<16xf32>
    %ne3A_135 = arith.constant 0.000000e+00 : f32
    %ne3A_136 = vector.broadcast %ne3A_135 : f32 to vector<16xf32>
    %ne3A_137 = arith.cmpf one, %rem3A_134, %ne3A_136 : vector<16xf32>
    %lt3A_138 = arith.constant 0.000000e+00 : f32
    %lt3A_139 = vector.broadcast %lt3A_138 : f32 to vector<16xf32>
    %lt3A_140 = arith.cmpf olt, %rem3A_134, %lt3A_139 : vector<16xf32>
    %lt3A_141 = arith.constant 0.000000e+00 : f32
    %lt3A_142 = arith.cmpf olt, %jit3A_132, %lt3A_141 : f32
    %ne3A_143 = vector.broadcast %lt3A_142 : i1 to vector<16xi1>
    %ne3A_144 = vector.broadcast %ne3A_143 : vector<16xi1> to vector<16xi1>
    %ne3A_145 = arith.xori %lt3A_140, %ne3A_144 : vector<16xi1>
    %and3A_146 = arith.andi %ne3A_145, %ne3A_137 : vector<16xi1>
    %add3A_147 = vector.broadcast %jit3A_132 : f32 to vector<16xf32>
    %add3A_148 = arith.addf %rem3A_134, %add3A_147 : vector<16xf32>
    %select_n3A_149 = arith.select %and3A_146, %add3A_148, %rem3A_134 : vector<16xi1>, vector<16xf32>
    %add3A_150 = arith.constant 1.000000e+00 : f32
    %add3A_151 = vector.broadcast %add3A_150 : f32 to vector<16xf32>
    %add3A_152 = arith.addf %select_n3A_149, %add3A_151 : vector<16xf32>
    %swap3A_153 = arith.constant 1 : i32
    %swap3A_154 = arith.index_cast %swap3A_153 : i32 to index
    %swap3A_155 = arith.constant 0 : index
    %swap3A_156 = tpu.vector_load %arg5[%swap3A_154, %swap3A_155] {strides = array<i32>} : memref<4x128xf32, #tpu.memory_space<vmem>>, vector<1x16xf32>,
    %swap3A_157 = vector.shape_cast %swap3A_156 : vector<1x16xf32> to vector<16xf32>
    %swap3A_158 = vector.shape_cast %add3A_152 : vector<16xf32> to vector<1x16xf32>
    tpu.vector_store %arg5[%swap3A_154, %swap3A_155], %swap3A_158 {strides = array<i32>} : memref<4x128xf32, #tpu.memory_space<vmem>>, vector<1x16xf32>,
    %get3A_159 = arith.constant 2 : i32
    %get3A_160 = arith.index_cast %get3A_159 : i32 to index
    %get3A_161 = arith.constant 0 : index
    %get3A_162 = tpu.vector_load %arg4[%get3A_160, %get3A_161] {strides = array<i32>} : memref<4x128xf32, #tpu.memory_space<vmem>>, vector<1x16xf32>,
    %get3A_163 = vector.shape_cast %get3A_162 : vector<1x16xf32> to vector<16xf32>
    %get3A_164 = arith.constant 2 : i32
    %get3A_165 = arith.index_cast %get3A_164 : i32 to index
    %get3A_166 = arith.constant 0 : index
    %get3A_167 = tpu.vector_load %arg5[%get3A_165, %get3A_166] {strides = array<i32>} : memref<4x128xf32, #tpu.memory_space<vmem>>, vector<1x16xf32>,
    %get3A_168 = vector.shape_cast %get3A_167 : vector<1x16xf32> to vector<16xf32>
    %add3A_169 = arith.addf %get3A_163, %get3A_168 : vector<16xf32>
    %jit3A_170 = arith.constant 1.024000e+03 : f32
    %rem3A_171 = vector.broadcast %jit3A_170 : f32 to vector<16xf32>
    %rem3A_172 = arith.remf %add3A_169, %rem3A_171 : vector<16xf32>
    %ne3A_173 = arith.constant 0.000000e+00 : f32
    %ne3A_174 = vector.broadcast %ne3A_173 : f32 to vector<16xf32>
    %ne3A_175 = arith.cmpf one, %rem3A_172, %ne3A_174 : vector<16xf32>
    %lt3A_176 = arith.constant 0.000000e+00 : f32
    %lt3A_177 = vector.broadcast %lt3A_176 : f32 to vector<16xf32>
    %lt3A_178 = arith.cmpf olt, %rem3A_172, %lt3A_177 : vector<16xf32>
    %lt3A_179 = arith.constant 0.000000e+00 : f32
    %lt3A_180 = arith.cmpf olt, %jit3A_170, %lt3A_179 : f32
    %ne3A_181 = vector.broadcast %lt3A_180 : i1 to vector<16xi1>
    %ne3A_182 = vector.broadcast %ne3A_181 : vector<16xi1> to vector<16xi1>
    %ne3A_183 = arith.xori %lt3A_178, %ne3A_182 : vector<16xi1>
    %and3A_184 = arith.andi %ne3A_183, %ne3A_175 : vector<16xi1>
    %add3A_185 = vector.broadcast %jit3A_170 : f32 to vector<16xf32>
    %add3A_186 = arith.addf %rem3A_172, %add3A_185 : vector<16xf32>
    %select_n3A_187 = arith.select %and3A_184, %add3A_186, %rem3A_172 : vector<16xi1>, vector<16xf32>
    %add3A_188 = arith.constant 1.000000e+00 : f32
    %add3A_189 = vector.broadcast %add3A_188 : f32 to vector<16xf32>
    %add3A_190 = arith.addf %select_n3A_187, %add3A_189 : vector<16xf32>
    %swap3A_191 = arith.constant 2 : i32
    %swap3A_192 = arith.index_cast %swap3A_191 : i32 to index
    %swap3A_193 = arith.constant 0 : index
    %swap3A_194 = tpu.vector_load %arg4[%swap3A_192, %swap3A_193] {strides = array<i32>} : memref<4x128xf32, #tpu.memory_space<vmem>>, vector<1x16xf32>,
    %swap3A_195 = vector.shape_cast %swap3A_194 : vector<1x16xf32> to vector<16xf32>
    %swap3A_196 = vector.shape_cast %add3A_190 : vector<16xf32> to vector<1x16xf32>
    tpu.vector_store %arg4[%swap3A_192, %swap3A_193], %swap3A_196 {strides = array<i32>} : memref<4x128xf32, #tpu.memory_space<vmem>>, vector<1x16xf32>,
    %add3A_197 = arith.constant 1.024000e+03 : f32
    %add3A_198 = vector.broadcast %add3A_197 : f32 to vector<16xf32>
    %add3A_199 = arith.addf %add3A_198, %get3A_163 : vector<16xf32>
    %sub3A_200 = arith.subf %add3A_199, %get3A_168 : vector<16xf32>
    %jit3A_201 = arith.constant 1.024000e+03 : f32
    %rem3A_202 = vector.broadcast %jit3A_201 : f32 to vector<16xf32>
    %rem3A_203 = arith.remf %sub3A_200, %rem3A_202 : vector<16xf32>
    %ne3A_204 = arith.constant 0.000000e+00 : f32
    %ne3A_205 = vector.broadcast %ne3A_204 : f32 to vector<16xf32>
    %ne3A_206 = arith.cmpf one, %rem3A_203, %ne3A_205 : vector<16xf32>
    %lt3A_207 = arith.constant 0.000000e+00 : f32
    %lt3A_208 = vector.broadcast %lt3A_207 : f32 to vector<16xf32>
    %lt3A_209 = arith.cmpf olt, %rem3A_203, %lt3A_208 : vector<16xf32>
    %lt3A_210 = arith.constant 0.000000e+00 : f32
    %lt3A_211 = arith.cmpf olt, %jit3A_201, %lt3A_210 : f32
    %ne3A_212 = vector.broadcast %lt3A_211 : i1 to vector<16xi1>
    %ne3A_213 = vector.broadcast %ne3A_212 : vector<16xi1> to vector<16xi1>
    %ne3A_214 = arith.xori %lt3A_209, %ne3A_213 : vector<16xi1>
    %and3A_215 = arith.andi %ne3A_214, %ne3A_206 : vector<16xi1>
    %add3A_216 = vector.broadcast %jit3A_201 : f32 to vector<16xf32>
    %add3A_217 = arith.addf %rem3A_203, %add3A_216 : vector<16xf32>
    %select_n3A_218 = arith.select %and3A_215, %add3A_217, %rem3A_203 : vector<16xi1>, vector<16xf32>
    %add3A_219 = arith.constant 1.000000e+00 : f32
    %add3A_220 = vector.broadcast %add3A_219 : f32 to vector<16xf32>
    %add3A_221 = arith.addf %select_n3A_218, %add3A_220 : vector<16xf32>
    %swap3A_222 = arith.constant 2 : i32
    %swap3A_223 = arith.index_cast %swap3A_222 : i32 to index
    %swap3A_224 = arith.constant 0 : index
    %swap3A_225 = tpu.vector_load %arg5[%swap3A_223, %swap3A_224] {strides = array<i32>} : memref<4x128xf32, #tpu.memory_space<vmem>>, vector<1x16xf32>,
    %swap3A_226 = vector.shape_cast %swap3A_225 : vector<1x16xf32> to vector<16xf32>
    %swap3A_227 = vector.shape_cast %add3A_221 : vector<16xf32> to vector<1x16xf32>
    tpu.vector_store %arg5[%swap3A_223, %swap3A_224], %swap3A_227 {strides = array<i32>} : memref<4x128xf32, #tpu.memory_space<vmem>>, vector<1x16xf32>,
    %get3A_228 = arith.constant 3 : i32
    %get3A_229 = arith.index_cast %get3A_228 : i32 to index
    %get3A_230 = arith.constant 0 : index
    %get3A_231 = tpu.vector_load %arg4[%get3A_229, %get3A_230] {strides = array<i32>} : memref<4x128xf32, #tpu.memory_space<vmem>>, vector<1x16xf32>,
    %get3A_232 = vector.shape_cast %get3A_231 : vector<1x16xf32> to vector<16xf32>
    %get3A_233 = arith.constant 3 : i32
    %get3A_234 = arith.index_cast %get3A_233 : i32 to index
    %get3A_235 = arith.constant 0 : index
    %get3A_236 = tpu.vector_load %arg5[%get3A_234, %get3A_235] {strides = array<i32>} : memref<4x128xf32, #tpu.memory_space<vmem>>, vector<1x16xf32>,
    %get3A_237 = vector.shape_cast %get3A_236 : vector<1x16xf32> to vector<16xf32>
    %add3A_238 = arith.addf %get3A_232, %get3A_237 : vector<16xf32>
    %jit3A_239 = arith.constant 1.024000e+03 : f32
    %rem3A_240 = vector.broadcast %jit3A_239 : f32 to vector<16xf32>
    %rem3A_241 = arith.remf %add3A_238, %rem3A_240 : vector<16xf32>
    %ne3A_242 = arith.constant 0.000000e+00 : f32
    %ne3A_243 = vector.broadcast %ne3A_242 : f32 to vector<16xf32>
    %ne3A_244 = arith.cmpf one, %rem3A_241, %ne3A_243 : vector<16xf32>
    %lt3A_245 = arith.constant 0.000000e+00 : f32
    %lt3A_246 = vector.broadcast %lt3A_245 : f32 to vector<16xf32>
    %lt3A_247 = arith.cmpf olt, %rem3A_241, %lt3A_246 : vector<16xf32>
    %lt3A_248 = arith.constant 0.000000e+00 : f32
    %lt3A_249 = arith.cmpf olt, %jit3A_239, %lt3A_248 : f32
    %ne3A_250 = vector.broadcast %lt3A_249 : i1 to vector<16xi1>
    %ne3A_251 = vector.broadcast %ne3A_250 : vector<16xi1> to vector<16xi1>
    %ne3A_252 = arith.xori %lt3A_247, %ne3A_251 : vector<16xi1>
    %and3A_253 = arith.andi %ne3A_252, %ne3A_244 : vector<16xi1>
    %add3A_254 = vector.broadcast %jit3A_239 : f32 to vector<16xf32>
    %add3A_255 = arith.addf %rem3A_241, %add3A_254 : vector<16xf32>
    %select_n3A_256 = arith.select %and3A_253, %add3A_255, %rem3A_241 : vector<16xi1>, vector<16xf32>
    %add3A_257 = arith.constant 1.000000e+00 : f32
    %add3A_258 = vector.broadcast %add3A_257 : f32 to vector<16xf32>
    %add3A_259 = arith.addf %select_n3A_256, %add3A_258 : vector<16xf32>
    %swap3A_260 = arith.constant 3 : i32
    %swap3A_261 = arith.index_cast %swap3A_260 : i32 to index
    %swap3A_262 = arith.constant 0 : index
    %swap3A_263 = tpu.vector_load %arg4[%swap3A_261, %swap3A_262] {strides = array<i32>} : memref<4x128xf32, #tpu.memory_space<vmem>>, vector<1x16xf32>,
    %swap3A_264 = vector.shape_cast %swap3A_263 : vector<1x16xf32> to vector<16xf32>
    %swap3A_265 = vector.shape_cast %add3A_259 : vector<16xf32> to vector<1x16xf32>
    tpu.vector_store %arg4[%swap3A_261, %swap3A_262], %swap3A_265 {strides = array<i32>} : memref<4x128xf32, #tpu.memory_space<vmem>>, vector<1x16xf32>,
    %add3A_266 = arith.constant 1.024000e+03 : f32
    %add3A_267 = vector.broadcast %add3A_266 : f32 to vector<16xf32>
    %add3A_268 = arith.addf %add3A_267, %get3A_232 : vector<16xf32>
    %sub3A_269 = arith.subf %add3A_268, %get3A_237 : vector<16xf32>
    %jit3A_270 = arith.constant 1.024000e+03 : f32
    %rem3A_271 = vector.broadcast %jit3A_270 : f32 to vector<16xf32>
    %rem3A_272 = arith.remf %sub3A_269, %rem3A_271 : vector<16xf32>
    %ne3A_273 = arith.constant 0.000000e+00 : f32
    %ne3A_274 = vector.broadcast %ne3A_273 : f32 to vector<16xf32>
    %ne3A_275 = arith.cmpf one, %rem3A_272, %ne3A_274 : vector<16xf32>
    %lt3A_276 = arith.constant 0.000000e+00 : f32
    %lt3A_277 = vector.broadcast %lt3A_276 : f32 to vector<16xf32>
    %lt3A_278 = arith.cmpf olt, %rem3A_272, %lt3A_277 : vector<16xf32>
    %lt3A_279 = arith.constant 0.000000e+00 : f32
    %lt3A_280 = arith.cmpf olt, %jit3A_270, %lt3A_279 : f32
    %ne3A_281 = vector.broadcast %lt3A_280 : i1 to vector<16xi1>
    %ne3A_282 = vector.broadcast %ne3A_281 : vector<16xi1> to vector<16xi1>
    %ne3A_283 = arith.xori %lt3A_278, %ne3A_282 : vector<16xi1>
    %and3A_284 = arith.andi %ne3A_283, %ne3A_275 : vector<16xi1>
    %add3A_285 = vector.broadcast %jit3A_270 : f32 to vector<16xf32>
    %add3A_286 = arith.addf %rem3A_272, %add3A_285 : vector<16xf32>
    %select_n3A_287 = arith.select %and3A_284, %add3A_286, %rem3A_272 : vector<16xi1>, vector<16xf32>
    %add3A_288 = arith.constant 1.000000e+00 : f32
    %add3A_289 = vector.broadcast %add3A_288 : f32 to vector<16xf32>
    %add3A_290 = arith.addf %select_n3A_287, %add3A_289 : vector<16xf32>
    %swap3A_291 = arith.constant 3 : i32
    %swap3A_292 = arith.index_cast %swap3A_291 : i32 to index
    %swap3A_293 = arith.constant 0 : index
    %swap3A_294 = tpu.vector_load %arg5[%swap3A_292, %swap3A_293] {strides = array<i32>} : memref<4x128xf32, #tpu.memory_space<vmem>>, vector<1x16xf32>,
    %swap3A_295 = vector.shape_cast %swap3A_294 : vector<1x16xf32> to vector<16xf32>
    %swap3A_296 = vector.shape_cast %add3A_290 : vector<16xf32> to vector<1x16xf32>
    tpu.vector_store %arg5[%swap3A_292, %swap3A_293], %swap3A_296 {strides = array<i32>} : memref<4x128xf32, #tpu.memory_space<vmem>>, vector<1x16xf32>,
    %add3A_297 = arith.constant 0 : i32
    %add3A_298 = arith.addi %mul3A_2, %add3A_297 : i32
    %dma_wait3A = arith.constant 0 : i32
    %dma_wait3A_299 = arith.constant 0 : i32
    %dma_wait3A_300 = tpu.memref_slice %arg2[%dma_wait3A, %add3A_298, %dma_wait3A_299] : memref<3x128x32768xf32, #tpu.memory_space<hbm>> -> memref<1x1x32768xf32, #tpu.memory_space<hbm>>
    %dma_wait3A_301 = tpu.memref_squeeze %dma_wait3A_300 : memref<1x1x32768xf32, #tpu.memory_space<hbm>> -> memref<1x32768xf32, #tpu.memory_space<hbm>>
    %dma_wait3A_302 = arith.constant 0 : i32
    %dma_wait3A_303 = tpu.memref_slice %arg2[%dma_wait3A, %add3A_298, %dma_wait3A_302] : memref<3x128x32768xf32, #tpu.memory_space<hbm>> -> memref<1x1x32768xf32, #tpu.memory_space<hbm>>
    %dma_wait3A_304 = tpu.memref_squeeze %dma_wait3A_303 : memref<1x1x32768xf32, #tpu.memory_space<hbm>> -> memref<1x32768xf32, #tpu.memory_space<hbm>>
    tpu.wait_dma2 semaphore(%arg9 : memref<!tpu.dma_semaphore, #tpu.memory_space<semaphore_mem>>) src(%dma_wait3A_304 : memref<1x32768xf32, #tpu.memory_space<hbm>>) dst(%arg6 : memref<1x32768xf32, #tpu.memory_space<vmem>>)
    %get3A_305 = arith.constant 0 : i32
    %get3A_306 = arith.index_cast %get3A_305 : i32 to index
    %get3A_307 = arith.constant 0 : index
    %get3A_308 = tpu.vector_load %arg4[%get3A_306, %get3A_307] {strides = array<i32>} : memref<4x128xf32, #tpu.memory_space<vmem>>, vector<1x16xf32>,
    %get3A_309 = vector.shape_cast %get3A_308 : vector<1x16xf32> to vector<16xf32>
    %swap3A_310 = arith.constant 0 : i32
    %swap3A_311 = arith.index_cast %swap3A_310 : i32 to index
    %swap3A_312 = arith.constant 0 : index
    %swap3A_313 = tpu.vector_load %arg6[%swap3A_311, %swap3A_312] {strides = array<i32>} : memref<1x32768xf32, #tpu.memory_space<vmem>>, vector<1x16xf32>,
    %swap3A_314 = vector.shape_cast %swap3A_313 : vector<1x16xf32> to vector<16xf32>
    %swap3A_315 = vector.shape_cast %get3A_309 : vector<16xf32> to vector<1x16xf32>
    tpu.vector_store %arg6[%swap3A_311, %swap3A_312], %swap3A_315 {strides = array<i32>} : memref<1x32768xf32, #tpu.memory_space<vmem>>, vector<1x16xf32>,
    %get3A_316 = arith.constant 0 : i32
    %get3A_317 = arith.index_cast %get3A_316 : i32 to index
    %get3A_318 = arith.constant 0 : index
    %get3A_319 = tpu.vector_load %arg5[%get3A_317, %get3A_318] {strides = array<i32>} : memref<4x128xf32, #tpu.memory_space<vmem>>, vector<1x16xf32>,
    %get3A_320 = vector.shape_cast %get3A_319 : vector<1x16xf32> to vector<16xf32>
    %swap3A_321 = arith.constant 0 : i32
    %swap3A_322 = arith.index_cast %swap3A_321 : i32 to index
    %swap3A_323 = arith.constant 16384 : index
    %swap3A_324 = tpu.vector_load %arg6[%swap3A_322, %swap3A_323] {strides = array<i32>} : memref<1x32768xf32, #tpu.memory_space<vmem>>, vector<1x16xf32>,
    %swap3A_325 = vector.shape_cast %swap3A_324 : vector<1x16xf32> to vector<16xf32>
    %swap3A_326 = vector.shape_cast %get3A_320 : vector<16xf32> to vector<1x16xf32>
    tpu.vector_store %arg6[%swap3A_322, %swap3A_323], %swap3A_326 {strides = array<i32>} : memref<1x32768xf32, #tpu.memory_space<vmem>>, vector<1x16xf32>,
    %add3A_327 = arith.constant 0 : i32
    %add3A_328 = arith.addi %mul3A_2, %add3A_327 : i32
    %dma_start3A_329 = arith.constant 0 : i32
    %dma_start3A_330 = tpu.memref_slice %arg3[%add3A_328, %dma_start3A_329] : memref<128x32768xf32, #tpu.memory_space<hbm>> -> memref<1x32768xf32, #tpu.memory_space<hbm>>
    %dma_start3A_331 = arith.constant 0 : i32
    %dma_start3A_332 = tpu.memref_slice %arg3[%add3A_328, %dma_start3A_331] : memref<128x32768xf32, #tpu.memory_space<hbm>> -> memref<1x32768xf32, #tpu.memory_space<hbm>>
    tpu.enqueue_dma source(%arg6 : memref<1x32768xf32, #tpu.memory_space<vmem>>) target(%dma_start3A_332 : memref<1x32768xf32, #tpu.memory_space<hbm>>) target_semaphore(%arg12 : memref<!tpu.dma_semaphore, #tpu.memory_space<semaphore_mem>>)
    %add3A_333 = arith.constant 0 : i32
    %add3A_334 = arith.addi %mul3A_2, %add3A_333 : i32
    %dma_wait3A_335 = arith.constant 0 : i32
    %dma_wait3A_336 = tpu.memref_slice %arg3[%add3A_334, %dma_wait3A_335] : memref<128x32768xf32, #tpu.memory_space<hbm>> -> memref<1x32768xf32, #tpu.memory_space<hbm>>
    %dma_wait3A_337 = arith.constant 0 : i32
    %dma_wait3A_338 = tpu.memref_slice %arg3[%add3A_334, %dma_wait3A_337] : memref<128x32768xf32, #tpu.memory_space<hbm>> -> memref<1x32768xf32, #tpu.memory_space<hbm>>
    tpu.wait_dma2 semaphore(%arg12 : memref<!tpu.dma_semaphore, #tpu.memory_space<semaphore_mem>>) src(%arg6 : memref<1x32768xf32, #tpu.memory_space<vmem>>) dst(%dma_wait3A_338 : memref<1x32768xf32, #tpu.memory_space<hbm>>)
    %add3A_339 = arith.constant 3 : i32
    %add3A_340 = arith.addi %mul3A_2, %add3A_339 : i32
    %dma_start3A_341 = arith.constant 0 : i32
    %dma_start3A_342 = arith.constant 0 : i32
    %dma_start3A_343 = tpu.memref_slice %arg2[%dma_start3A_341, %add3A_340, %dma_start3A_342] : memref<3x128x32768xf32, #tpu.memory_space<hbm>> -> memref<1x1x32768xf32, #tpu.memory_space<hbm>>
    %dma_start3A_344 = tpu.memref_squeeze %dma_start3A_343 : memref<1x1x32768xf32, #tpu.memory_space<hbm>> -> memref<1x32768xf32, #tpu.memory_space<hbm>>
    %dma_start3A_345 = arith.constant 0 : i32
    %dma_start3A_346 = tpu.memref_slice %arg2[%dma_start3A_341, %add3A_340, %dma_start3A_345] : memref<3x128x32768xf32, #tpu.memory_space<hbm>> -> memref<1x1x32768xf32, #tpu.memory_space<hbm>>
    %dma_start3A_347 = tpu.memref_squeeze %dma_start3A_346 : memref<1x1x32768xf32, #tpu.memory_space<hbm>> -> memref<1x32768xf32, #tpu.memory_space<hbm>>
    tpu.enqueue_dma source(%dma_start3A_347 : memref<1x32768xf32, #tpu.memory_space<hbm>>) target(%arg6 : memref<1x32768xf32, #tpu.memory_space<vmem>>) target_semaphore(%arg9 : memref<!tpu.dma_semaphore, #tpu.memory_space<semaphore_mem>>)
    %add3A_348 = arith.constant 1 : i32
    %add3A_349 = arith.addi %mul3A_2, %add3A_348 : i32
    %dma_wait3A_350 = arith.constant 0 : i32
    %dma_wait3A_351 = arith.constant 0 : i32
    %dma_wait3A_352 = tpu.memref_slice %arg2[%dma_wait3A_350, %add3A_349, %dma_wait3A_351] : memref<3x128x32768xf32, #tpu.memory_space<hbm>> -> memref<1x1x32768xf32, #tpu.memory_space<hbm>>
    %dma_wait3A_353 = tpu.memref_squeeze %dma_wait3A_352 : memref<1x1x32768xf32, #tpu.memory_space<hbm>> -> memref<1x32768xf32, #tpu.memory_space<hbm>>
    %dma_wait3A_354 = arith.constant 0 : i32
    %dma_wait3A_355 = tpu.memref_slice %arg2[%dma_wait3A_350, %add3A_349, %dma_wait3A_354] : memref<3x128x32768xf32, #tpu.memory_space<hbm>> -> memref<1x1x32768xf32, #tpu.memory_space<hbm>>
    %dma_wait3A_356 = tpu.memref_squeeze %dma_wait3A_355 : memref<1x1x32768xf32, #tpu.memory_space<hbm>> -> memref<1x32768xf32, #tpu.memory_space<hbm>>
    tpu.wait_dma2 semaphore(%arg10 : memref<!tpu.dma_semaphore, #tpu.memory_space<semaphore_mem>>) src(%dma_wait3A_356 : memref<1x32768xf32, #tpu.memory_space<hbm>>) dst(%arg7 : memref<1x32768xf32, #tpu.memory_space<vmem>>)
    %get3A_357 = arith.constant 1 : i32
    %get3A_358 = arith.index_cast %get3A_357 : i32 to index
    %get3A_359 = arith.constant 0 : index
    %get3A_360 = tpu.vector_load %arg4[%get3A_358, %get3A_359] {strides = array<i32>} : memref<4x128xf32, #tpu.memory_space<vmem>>, vector<1x16xf32>,
    %get3A_361 = vector.shape_cast %get3A_360 : vector<1x16xf32> to vector<16xf32>
    %swap3A_362 = arith.constant 0 : i32
    %swap3A_363 = arith.index_cast %swap3A_362 : i32 to index
    %swap3A_364 = arith.constant 0 : index
    %swap3A_365 = tpu.vector_load %arg7[%swap3A_363, %swap3A_364] {strides = array<i32>} : memref<1x32768xf32, #tpu.memory_space<vmem>>, vector<1x16xf32>,
    %swap3A_366 = vector.shape_cast %swap3A_365 : vector<1x16xf32> to vector<16xf32>
    %swap3A_367 = vector.shape_cast %get3A_361 : vector<16xf32> to vector<1x16xf32>
    tpu.vector_store %arg7[%swap3A_363, %swap3A_364], %swap3A_367 {strides = array<i32>} : memref<1x32768xf32, #tpu.memory_space<vmem>>, vector<1x16xf32>,
    %get3A_368 = arith.constant 1 : i32
    %get3A_369 = arith.index_cast %get3A_368 : i32 to index
    %get3A_370 = arith.constant 0 : index
    %get3A_371 = tpu.vector_load %arg5[%get3A_369, %get3A_370] {strides = array<i32>} : memref<4x128xf32, #tpu.memory_space<vmem>>, vector<1x16xf32>,
    %get3A_372 = vector.shape_cast %get3A_371 : vector<1x16xf32> to vector<16xf32>
    %swap3A_373 = arith.constant 0 : i32
    %swap3A_374 = arith.index_cast %swap3A_373 : i32 to index
    %swap3A_375 = arith.constant 16384 : index
    %swap3A_376 = tpu.vector_load %arg7[%swap3A_374, %swap3A_375] {strides = array<i32>} : memref<1x32768xf32, #tpu.memory_space<vmem>>, vector<1x16xf32>,
    %swap3A_377 = vector.shape_cast %swap3A_376 : vector<1x16xf32> to vector<16xf32>
    %swap3A_378 = vector.shape_cast %get3A_372 : vector<16xf32> to vector<1x16xf32>
    tpu.vector_store %arg7[%swap3A_374, %swap3A_375], %swap3A_378 {strides = array<i32>} : memref<1x32768xf32, #tpu.memory_space<vmem>>, vector<1x16xf32>,
    %add3A_379 = arith.constant 1 : i32
    %add3A_380 = arith.addi %mul3A_2, %add3A_379 : i32
    %dma_start3A_381 = arith.constant 0 : i32
    %dma_start3A_382 = tpu.memref_slice %arg3[%add3A_380, %dma_start3A_381] : memref<128x32768xf32, #tpu.memory_space<hbm>> -> memref<1x32768xf32, #tpu.memory_space<hbm>>
    %dma_start3A_383 = arith.constant 0 : i32
    %dma_start3A_384 = tpu.memref_slice %arg3[%add3A_380, %dma_start3A_383] : memref<128x32768xf32, #tpu.memory_space<hbm>> -> memref<1x32768xf32, #tpu.memory_space<hbm>>
    tpu.enqueue_dma source(%arg7 : memref<1x32768xf32, #tpu.memory_space<vmem>>) target(%dma_start3A_384 : memref<1x32768xf32, #tpu.memory_space<hbm>>) target_semaphore(%arg13 : memref<!tpu.dma_semaphore, #tpu.memory_space<semaphore_mem>>)
    %add3A_385 = arith.constant 2 : i32
    %add3A_386 = arith.addi %mul3A_2, %add3A_385 : i32
    %dma_wait3A_387 = arith.constant 0 : i32
    %dma_wait3A_388 = arith.constant 0 : i32
    %dma_wait3A_389 = tpu.memref_slice %arg2[%dma_wait3A_387, %add3A_386, %dma_wait3A_388] : memref<3x128x32768xf32, #tpu.memory_space<hbm>> -> memref<1x1x32768xf32, #tpu.memory_space<hbm>>
    %dma_wait3A_390 = tpu.memref_squeeze %dma_wait3A_389 : memref<1x1x32768xf32, #tpu.memory_space<hbm>> -> memref<1x32768xf32, #tpu.memory_space<hbm>>
    %dma_wait3A_391 = arith.constant 0 : i32
    %dma_wait3A_392 = tpu.memref_slice %arg2[%dma_wait3A_387, %add3A_386, %dma_wait3A_391] : memref<3x128x32768xf32, #tpu.memory_space<hbm>> -> memref<1x1x32768xf32, #tpu.memory_space<hbm>>
    %dma_wait3A_393 = tpu.memref_squeeze %dma_wait3A_392 : memref<1x1x32768xf32, #tpu.memory_space<hbm>> -> memref<1x32768xf32, #tpu.memory_space<hbm>>
    tpu.wait_dma2 semaphore(%arg11 : memref<!tpu.dma_semaphore, #tpu.memory_space<semaphore_mem>>) src(%dma_wait3A_393 : memref<1x32768xf32, #tpu.memory_space<hbm>>) dst(%arg8 : memref<1x32768xf32, #tpu.memory_space<vmem>>)
    %get3A_394 = arith.constant 2 : i32
    %get3A_395 = arith.index_cast %get3A_394 : i32 to index
    %get3A_396 = arith.constant 0 : index
    %get3A_397 = tpu.vector_load %arg4[%get3A_395, %get3A_396] {strides = array<i32>} : memref<4x128xf32, #tpu.memory_space<vmem>>, vector<1x16xf32>,
    %get3A_398 = vector.shape_cast %get3A_397 : vector<1x16xf32> to vector<16xf32>
    %swap3A_399 = arith.constant 0 : i32
    %swap3A_400 = arith.index_cast %swap3A_399 : i32 to index
    %swap3A_401 = arith.constant 0 : index
    %swap3A_402 = tpu.vector_load %arg8[%swap3A_400, %swap3A_401] {strides = array<i32>} : memref<1x32768xf32, #tpu.memory_space<vmem>>, vector<1x16xf32>,
    %swap3A_403 = vector.shape_cast %swap3A_402 : vector<1x16xf32> to vector<16xf32>
    %swap3A_404 = vector.shape_cast %get3A_398 : vector<16xf32> to vector<1x16xf32>
    tpu.vector_store %arg8[%swap3A_400, %swap3A_401], %swap3A_404 {strides = array<i32>} : memref<1x32768xf32, #tpu.memory_space<vmem>>, vector<1x16xf32>,
    %get3A_405 = arith.constant 2 : i32
    %get3A_406 = arith.index_cast %get3A_405 : i32 to index
    %get3A_407 = arith.constant 0 : index
    %get3A_408 = tpu.vector_load %arg5[%get3A_406, %get3A_407] {strides = array<i32>} : memref<4x128xf32, #tpu.memory_space<vmem>>, vector<1x16xf32>,
    %get3A_409 = vector.shape_cast %get3A_408 : vector<1x16xf32> to vector<16xf32>
    %swap3A_410 = arith.constant 0 : i32
    %swap3A_411 = arith.index_cast %swap3A_410 : i32 to index
    %swap3A_412 = arith.constant 16384 : index
    %swap3A_413 = tpu.vector_load %arg8[%swap3A_411, %swap3A_412] {strides = array<i32>} : memref<1x32768xf32, #tpu.memory_space<vmem>>, vector<1x16xf32>,
    %swap3A_414 = vector.shape_cast %swap3A_413 : vector<1x16xf32> to vector<16xf32>
    %swap3A_415 = vector.shape_cast %get3A_409 : vector<16xf32> to vector<1x16xf32>
    tpu.vector_store %arg8[%swap3A_411, %swap3A_412], %swap3A_415 {strides = array<i32>} : memref<1x32768xf32, #tpu.memory_space<vmem>>, vector<1x16xf32>,
    %add3A_416 = arith.constant 2 : i32
    %add3A_417 = arith.addi %mul3A_2, %add3A_416 : i32
    %dma_start3A_418 = arith.constant 0 : i32
    %dma_start3A_419 = tpu.memref_slice %arg3[%add3A_417, %dma_start3A_418] : memref<128x32768xf32, #tpu.memory_space<hbm>> -> memref<1x32768xf32, #tpu.memory_space<hbm>>
    %dma_start3A_420 = arith.constant 0 : i32
    %dma_start3A_421 = tpu.memref_slice %arg3[%add3A_417, %dma_start3A_420] : memref<128x32768xf32, #tpu.memory_space<hbm>> -> memref<1x32768xf32, #tpu.memory_space<hbm>>
    tpu.enqueue_dma source(%arg8 : memref<1x32768xf32, #tpu.memory_space<vmem>>) target(%dma_start3A_421 : memref<1x32768xf32, #tpu.memory_space<hbm>>) target_semaphore(%arg14 : memref<!tpu.dma_semaphore, #tpu.memory_space<semaphore_mem>>)
    %add3A_422 = arith.constant 3 : i32
    %add3A_423 = arith.addi %mul3A_2, %add3A_422 : i32
    %dma_wait3A_424 = arith.constant 0 : i32
    %dma_wait3A_425 = arith.constant 0 : i32
    %dma_wait3A_426 = tpu.memref_slice %arg2[%dma_wait3A_424, %add3A_423, %dma_wait3A_425] : memref<3x128x32768xf32, #tpu.memory_space<hbm>> -> memref<1x1x32768xf32, #tpu.memory_space<hbm>>
    %dma_wait3A_427 = tpu.memref_squeeze %dma_wait3A_426 : memref<1x1x32768xf32, #tpu.memory_space<hbm>> -> memref<1x32768xf32, #tpu.memory_space<hbm>>
    %dma_wait3A_428 = arith.constant 0 : i32
    %dma_wait3A_429 = tpu.memref_slice %arg2[%dma_wait3A_424, %add3A_423, %dma_wait3A_428] : memref<3x128x32768xf32, #tpu.memory_space<hbm>> -> memref<1x1x32768xf32, #tpu.memory_space<hbm>>
    %dma_wait3A_430 = tpu.memref_squeeze %dma_wait3A_429 : memref<1x1x32768xf32, #tpu.memory_space<hbm>> -> memref<1x32768xf32, #tpu.memory_space<hbm>>
    tpu.wait_dma2 semaphore(%arg9 : memref<!tpu.dma_semaphore, #tpu.memory_space<semaphore_mem>>) src(%dma_wait3A_430 : memref<1x32768xf32, #tpu.memory_space<hbm>>) dst(%arg6 : memref<1x32768xf32, #tpu.memory_space<vmem>>)
    %get3A_431 = arith.constant 3 : i32
    %get3A_432 = arith.index_cast %get3A_431 : i32 to index
    %get3A_433 = arith.constant 0 : index
    %get3A_434 = tpu.vector_load %arg4[%get3A_432, %get3A_433] {strides = array<i32>} : memref<4x128xf32, #tpu.memory_space<vmem>>, vector<1x16xf32>,
    %get3A_435 = vector.shape_cast %get3A_434 : vector<1x16xf32> to vector<16xf32>
    %swap3A_436 = arith.constant 0 : i32
    %swap3A_437 = arith.index_cast %swap3A_436 : i32 to index
    %swap3A_438 = arith.constant 0 : index
    %swap3A_439 = tpu.vector_load %arg6[%swap3A_437, %swap3A_438] {strides = array<i32>} : memref<1x32768xf32, #tpu.memory_space<vmem>>, vector<1x16xf32>,
    %swap3A_440 = vector.shape_cast %swap3A_439 : vector<1x16xf32> to vector<16xf32>
    %swap3A_441 = vector.shape_cast %get3A_435 : vector<16xf32> to vector<1x16xf32>
    tpu.vector_store %arg6[%swap3A_437, %swap3A_438], %swap3A_441 {strides = array<i32>} : memref<1x32768xf32, #tpu.memory_space<vmem>>, vector<1x16xf32>,
    %get3A_442 = arith.constant 3 : i32
    %get3A_443 = arith.index_cast %get3A_442 : i32 to index
    %get3A_444 = arith.constant 0 : index
    %get3A_445 = tpu.vector_load %arg5[%get3A_443, %get3A_444] {strides = array<i32>} : memref<4x128xf32, #tpu.memory_space<vmem>>, vector<1x16xf32>,
    %get3A_446 = vector.shape_cast %get3A_445 : vector<1x16xf32> to vector<16xf32>
    %swap3A_447 = arith.constant 0 : i32
    %swap3A_448 = arith.index_cast %swap3A_447 : i32 to index
    %swap3A_449 = arith.constant 16384 : index
    %swap3A_450 = tpu.vector_load %arg6[%swap3A_448, %swap3A_449] {strides = array<i32>} : memref<1x32768xf32, #tpu.memory_space<vmem>>, vector<1x16xf32>,
    %swap3A_451 = vector.shape_cast %swap3A_450 : vector<1x16xf32> to vector<16xf32>
    %swap3A_452 = vector.shape_cast %get3A_446 : vector<16xf32> to vector<1x16xf32>
    tpu.vector_store %arg6[%swap3A_448, %swap3A_449], %swap3A_452 {strides = array<i32>} : memref<1x32768xf32, #tpu.memory_space<vmem>>, vector<1x16xf32>,
    %add3A_453 = arith.constant 3 : i32
    %add3A_454 = arith.addi %mul3A_2, %add3A_453 : i32
    %dma_start3A_455 = arith.constant 0 : i32
    %dma_start3A_456 = tpu.memref_slice %arg3[%add3A_454, %dma_start3A_455] : memref<128x32768xf32, #tpu.memory_space<hbm>> -> memref<1x32768xf32, #tpu.memory_space<hbm>>
    %dma_start3A_457 = arith.constant 0 : i32
    %dma_start3A_458 = tpu.memref_slice %arg3[%add3A_454, %dma_start3A_457] : memref<128x32768xf32, #tpu.memory_space<hbm>> -> memref<1x32768xf32, #tpu.memory_space<hbm>>
    tpu.enqueue_dma source(%arg6 : memref<1x32768xf32, #tpu.memory_space<vmem>>) target(%dma_start3A_458 : memref<1x32768xf32, #tpu.memory_space<hbm>>) target_semaphore(%arg12 : memref<!tpu.dma_semaphore, #tpu.memory_space<semaphore_mem>>)
    %add3A_459 = arith.constant 1 : i32
    %add3A_460 = arith.addi %mul3A_2, %add3A_459 : i32
    %dma_wait3A_461 = arith.constant 0 : i32
    %dma_wait3A_462 = tpu.memref_slice %arg3[%add3A_460, %dma_wait3A_461] : memref<128x32768xf32, #tpu.memory_space<hbm>> -> memref<1x32768xf32, #tpu.memory_space<hbm>>
    %dma_wait3A_463 = arith.constant 0 : i32
    %dma_wait3A_464 = tpu.memref_slice %arg3[%add3A_460, %dma_wait3A_463] : memref<128x32768xf32, #tpu.memory_space<hbm>> -> memref<1x32768xf32, #tpu.memory_space<hbm>>
    tpu.wait_dma2 semaphore(%arg13 : memref<!tpu.dma_semaphore, #tpu.memory_space<semaphore_mem>>) src(%arg7 : memref<1x32768xf32, #tpu.memory_space<vmem>>) dst(%dma_wait3A_464 : memref<1x32768xf32, #tpu.memory_space<hbm>>)
    %add3A_465 = arith.constant 2 : i32
    %add3A_466 = arith.addi %mul3A_2, %add3A_465 : i32
    %dma_wait3A_467 = arith.constant 0 : i32
    %dma_wait3A_468 = tpu.memref_slice %arg3[%add3A_466, %dma_wait3A_467] : memref<128x32768xf32, #tpu.memory_space<hbm>> -> memref<1x32768xf32, #tpu.memory_space<hbm>>
    %dma_wait3A_469 = arith.constant 0 : i32
    %dma_wait3A_470 = tpu.memref_slice %arg3[%add3A_466, %dma_wait3A_469] : memref<128x32768xf32, #tpu.memory_space<hbm>> -> memref<1x32768xf32, #tpu.memory_space<hbm>>
    tpu.wait_dma2 semaphore(%arg14 : memref<!tpu.dma_semaphore, #tpu.memory_space<semaphore_mem>>) src(%arg8 : memref<1x32768xf32, #tpu.memory_space<vmem>>) dst(%dma_wait3A_470 : memref<1x32768xf32, #tpu.memory_space<hbm>>)
    %add3A_471 = arith.constant 3 : i32
    %add3A_472 = arith.addi %mul3A_2, %add3A_471 : i32
    %dma_wait3A_473 = arith.constant 0 : i32
    %dma_wait3A_474 = tpu.memref_slice %arg3[%add3A_472, %dma_wait3A_473] : memref<128x32768xf32, #tpu.memory_space<hbm>> -> memref<1x32768xf32, #tpu.memory_space<hbm>>
    %dma_wait3A_475 = arith.constant 0 : i32
    %dma_wait3A_476 = tpu.memref_slice %arg3[%add3A_472, %dma_wait3A_475] : memref<128x32768xf32, #tpu.memory_space<hbm>> -> memref<1x32768xf32, #tpu.memory_space<hbm>>
    tpu.wait_dma2 semaphore(%arg12 : memref<!tpu.dma_semaphore, #tpu.memory_space<semaphore_mem>>) src(%arg6 : memref<1x32768xf32, #tpu.memory_space<vmem>>) dst(%dma_wait3A_476 : memref<1x32768xf32, #tpu.memory_space<hbm>>)
    return
  }
}

</mosaic_0001>

<sc_bundles>
// kernel: kernel.3.cloned.1.call-start
scs
__scs_entry_jumppad:
0x0: {  	(pc) =	sbr.rel $0x88, $3  }
0x1: {  	(tag) =	ssettag $0x0;
	lr =	simm.s32 $0x1  }
0x2: {  	[smem:$0x3FA0] =	sst lr;
	_ =	strace $0xD0000000  }
0x3: {  	_ = 	snop  }
0x4: {  	_ = 	snop  }
0x5: {  	_ = 	snop  }
0x6: {  	_ = 	snop  }
0x7: {  	_ = 	snop  }
__scs_overlays_trampoline_lowered:
0x8: {  	[smem:$0x3FAF] =	sst s0  }
0x9: {  	[smem:$0x3FB0] =	sst s1  }
0xa: {  	[smem:$0x3FB1] =	sst s2  }
0xb: {  	[smem:$0x3FB2] =	sst s3  }
0xc: {  	[smem:$0x3FB3] =	sst s4  }
0xd: {  	[smem:$0x3FB4] =	sst s5  }
0xe: {  	[smem:$0x3FB5] =	sst s6  }
0xf: {  	[smem:$0x3FB6] =	sst s7  }
0x10: {  	[smem:$0x3FB7] =	sst s8  }
0x11: {  	[smem:$0x3FB8] =	sst s9;
	s0 =	simm.s32 @!p0 $0x0  }
0x12: {  	s1 =	sld [smem:$0x3F9E];
	s0 =	simm.s32 @p0 $0x1  }
0x13: {  	[smem:$0x3FB9] =	sst s0;
	s0 =	simm.s32 @!p1 $0x0  }
0x14: {  	s2 =	sld [smem:$0x3F9D];
	s0 =	simm.s32 @p1 $0x1  }
0x15: {  	[smem:$0x3FBA] =	sst s0;
	s0 =	simm.s32 @!p2 $0x0  }
0x16: {  	s3 =	sld [smem:$0x3FDB];
	s0 =	simm.s32 @p2 $0x1  }
0x17: {  	s4 =	simm.s32 $0x1BF5;
	[smem:$0x3FBC] =	sst s0  }
0x18: {  	s0 =	sld [smem:$0x3F9F];
	_ =	swait.ge [sflag:s4], $0x0  }
0x19: {  	s7 =	sld [smem:$0x3FA0]  }
0x1a: {  	s8 =	sadd.s32 $0xFFFFE003, lr  }
0x1b: {  	s9 =	sadd.s32 $0xFFFFFEF7, lr;
	s5 =	simm.s32 $0xFFFFFFFF;
	p2 =	slt.u32 s8, $0xFFFFF086  }
0x1c: {  	p1 =	slt.u32 s9, $0xF7A;
	s5 =	simm.s32 @!p2 $0x0  }
0x1d: {  	s5 =	simm.s32 @p1 $0x1;
	p0 =	seq.s32 s7, s2  }
0x1e: {  	s7 =	smul.u32 @!p0 $0xF7A, s2;
	p2 =	seq.s32 @!p0 s5, $0x0  }
0x1f: {  	s9 =	smul.u32 $0xF7A, s1;
	s8 =	simm.s32 @!p0 $0x1BF5;
	p2 =	por !p2, p0  }
0x20: {  	[sflag:s8] =	ssyncset.s32 @!p0 $0xFFFFF086;
	s6 =	sadd.s32 @!p0 s3, s7;
	s7 =	simm.s32 @!p0 $0x108  }
0x21: {  	s3 =	sadd.s32 s3, s9;
	s6 =	sadd.s32 @!p0 $0x88, s6;
	s7 =	simm.s32 @p2 $0x1082  }
0x22: {  	[simem:s7], [sflag:s8] =	dma.local @!p0 [hbm:s6], $0xF7A  }
0x23: {  	s9 =	sor.u32 $0xD0000000, s2;
	s6 =	simm.s32 $0x108;
	_ =	swait.ge @!p0 [sflag:s8], $0x0  }
0x24: {  	s3 =	sadd.s32 $0x88, s3;
	s6 =	simm.s32 @!p1 $0x1082;
	[sflag:s4] =	ssyncset.s32 $0xFFFFF086  }
0x25: {  	[simem:s6], [sflag:s4] =	dma.local [hbm:s3], $0xF7A  }
0x26: {  	[smem:$0x3FA0] =	sst s1;
	(tag) =	ssettag s2;
	_ =	strace s9  }
0x27: {  	s1 =	sld [smem:$0x3FB0]  }
0x28: {  	s2 =	sld [smem:$0x3FB1]  }
0x29: {  	s4 =	sld [smem:$0x3FB3]  }
0x2a: {  	p0 =	seq.s32 s5, $0x0;
	s5 =	sld [smem:$0x3FB4]  }
0x2b: {  	s6 =	sld [smem:$0x3FB5]  }
0x2c: {  	s7 =	sld [smem:$0x3FB6]  }
0x2d: {  	s3 =	simm.s32 $0x108;
	s8 =	sld [smem:$0x3FB7]  }
0x2e: {  	s3 =	simm.s32 @!p0 $0x1082;
	s9 =	sld [smem:$0x3FB8]  }
0x2f: {  	lr =	sadd.s32 s0, s3;
	s0 =	sld [smem:$0x3FAF]  }
0x30: {  	s3 =	sld [smem:$0x3FB2]  }
0x31: {  	[smem:$0x3FBB] =	sst s10  }
0x32: {  	s10 =	sld [smem:$0x3FB9];
	_ =	sdelay $0x3  }
0x33: {  	p0 =	seq.s32 s10, $0x1;
	s10 =	sld [smem:$0x3FBB];
	_ =	sdelay $0x3  }
0x34: {  	[smem:$0x3FBB] =	sst s10  }
0x35: {  	s10 =	sld [smem:$0x3FBA];
	_ =	sdelay $0x3  }
0x36: {  	p1 =	seq.s32 s10, $0x1;
	s10 =	sld [smem:$0x3FBB];
	_ =	sdelay $0x3  }
0x37: {  	[smem:$0x3FBB] =	sst s10  }
0x38: {  	s10 =	sld [smem:$0x3FBC]  }
0x39: {  	_ = 	snop;
	(pc) =	sbr.ind lr, $3  }
0x3a: {  	_ = 	snop  }
0x3b: {  	_ = 	snop  }
0x3c: {  	p2 =	seq.s32 s10, $0x1;
	s10 =	sld [smem:$0x3FBB]  }
0x3d: {  	_ =	shalt  }
0x3e: {  	_ =	shalt  }
0x3f: {  	_ =	shalt  }
0x40: {  	_ =	shalt  }
0x41: {  	_ =	shalt  }
0x42: {  	_ =	shalt  }
0x43: {  	_ =	shalt  }
0x44: {  	_ =	shalt  }
0x45: {  	_ =	shalt  }
0x46: {  	_ =	shalt  }
0x47: {  	_ =	shalt  }
0x48: {  	_ =	shalt  }
0x49: {  	_ =	shalt  }
0x4a: {  	_ =	shalt  }
0x4b: {  	_ =	shalt  }
0x4c: {  	_ =	shalt  }
0x4d: {  	_ =	shalt  }
0x4e: {  	_ =	shalt  }
0x4f: {  	_ =	shalt  }
0x50: {  	_ =	shalt  }
0x51: {  	_ =	shalt  }
0x52: {  	_ =	shalt  }
0x53: {  	_ =	shalt  }
0x54: {  	_ =	shalt  }
0x55: {  	_ =	shalt  }
0x56: {  	_ =	shalt  }
0x57: {  	_ =	shalt  }
0x58: {  	_ =	shalt  }
0x59: {  	_ =	shalt  }
0x5a: {  	_ =	shalt  }
0x5b: {  	_ =	shalt  }
0x5c: {  	_ =	shalt  }
0x5d: {  	_ =	shalt  }
0x5e: {  	_ =	shalt  }
0x5f: {  	_ =	shalt  }
0x60: {  	_ =	shalt  }
0x61: {  	_ =	shalt  }
0x62: {  	_ =	shalt  }
0x63: {  	_ =	shalt  }
0x64: {  	_ =	shalt  }
0x65: {  	_ =	shalt  }
0x66: {  	_ =	shalt  }
0x67: {  	_ =	shalt  }
0x68: {  	_ =	shalt  }
0x69: {  	_ =	shalt  }
0x6a: {  	_ =	shalt  }
0x6b: {  	_ =	shalt  }
0x6c: {  	_ =	shalt  }
0x6d: {  	_ =	shalt  }
0x6e: {  	_ =	shalt  }
0x6f: {  	_ =	shalt  }
0x70: {  	_ =	shalt  }
0x71: {  	_ =	shalt  }
0x72: {  	_ =	shalt  }
0x73: {  	_ =	shalt  }
0x74: {  	_ =	shalt  }
0x75: {  	_ =	shalt  }
0x76: {  	_ =	shalt  }
0x77: {  	_ =	shalt  }
0x78: {  	_ =	shalt  }
0x79: {  	_ =	shalt  }
0x7a: {  	_ =	shalt  }
0x7b: {  	_ =	shalt  }
0x7c: {  	_ =	shalt  }
0x7d: {  	_ =	shalt  }
0x7e: {  	_ =	shalt  }
0x7f: {  	_ =	shalt  }
0x80: {  	_ =	shalt  }
0x81: {  	_ =	shalt  }
0x82: {  	_ =	shalt  }
0x83: {  	_ =	shalt  }
0x84: {  	_ =	shalt  }
0x85: {  	_ =	shalt  }
0x86: {  	_ =	shalt  }
0x87: {  	_ =	shalt  }
.Lfunc_end0:
.L_simem_size_0:
called_computation_lowered:
.L_overlay_start_0:
0x88: {  	s2 =	sld [smem:$0x3FD9]  }
0x89: {  	s3 =	sld [smem:$0x3FFE];
	_ =	sdelay $0x1  }
0x8a: {  	s1 =	srdreg.scid  }
0x8b: {  	s0 =	sand.u32 $0x1, s1  }
0x8c: {  	s15 =	sshll.u32 s0, $0xA;
	s2 =	sadd.s32 s3, s2  }
0x8d: {  	s2 =	sadd.s32 s2, s15  }
0x8e: {  	[smem:$0x3FC7] =	sst s2  }
0x8f: {  	_ = 	snop  }
0x90: {  	s2 =	sld [smem:$0x3FD0];
	_ =	sdelay $0x2  }
0x91: {  	s4 =	simm.s32 $0xA;
	s5 =	simm.s32 $0x10;
	s16 =	sld [smem:$0x3FC9]  }
0x92: {  	[smem:s5], [sflag:s4] =	dma.local [hbm:s2], $0x1  }
0x93: {  	_ =	swait.eq [sflag:s4], $0x1  }
0x94: {  	[sflag:s4] =	ssyncset.done $0x0  }
0x95: {  	[sflag:s4] =	ssyncadd.s32 $0xFFFFFFFF  }
0x96: {  	s17 =	sld [smem:$0x10];
	(tm) =	ssettm $0x1  }
0x97: {  	s18 =	sld [smem:$0x3FFB];
	_ =	sdelay $0x3  }
0x98: {  	_ =	strace s18  }
0x99: {  	s4 =	sld [smem:$0x3FFC];
	_ =	sdelay $0x3  }
0x9a: {  	_ =	strace s4  }
0x9b: {  	s4 =	sld [smem:$0x3FFD];
	_ =	sdelay $0x3  }
0x9c: {  	_ =	strace s4  }
0x9d: {  	_ =	strace $0x8FFFFFFF  }
0x9e: {  	s19 =	sld [smem:$0x3FDB];
	_ =	sdelay $0x1  }
0x9f: {  	s20 =	simm.s32 $_scs_section_size  }
0xa0: {  	s6 =	simm.s32 $_size__tile_overlayer_lowered;
	s7 =	simm.s32 $_tile_overlayer_lowered  }
0xa1: {  	s23 =	simm.s32 $0x1BFF;
	s22 =	sshll.u32 s7, $0x1;
	s4 =	sadd.s32 s20, s19  }
0xa2: {  	s8 =	simm.s32 $0x0;
	s21 =	sshll.u32 s6, $0x1;
	s6 =	sadd.s32 s22, s4  }
0xa3: {  	[timem:s8], [sflag:s23] =	dma.local [hbm:s6], s21  }
0xa4: {  	_ =	swait.ge [sflag:s23], s21  }
0xa5: {  	s5 =	ssub.s32 $0x0, s21;
	[sflag:s23] =	ssyncset.done $0x0  }
0xa6: {  	[sflag:s23] =	ssyncadd.s32 s5;
	_ =	sdelay $0x1  }
0xa7: {  	s24 =	simm.s32 $0x1B8B  }
0xa8: {  	_ =	swait.ge [sflag:s24], $0x1  }
0xa9: {  	[sflag:s24] =	ssyncset.done $0x0  }
0xaa: {  	s25 =	simm.s32 $0x1B8E;
	[sflag:s24] =	ssyncadd.s32 $0xFFFFFFFF  }
0xab: {  	s26 =	simm.s32 $execute0_lowered;
	[smem:$0x3FD2] =	sst s25  }
0xac: {  	s5 =	sshll.u32 s26, $0x1;
	_ =	strace $0x80000046;
	[dreg:$0x1] =	wrdreg $0xFFFFFFFF  }
0xad: {  	s28 =	simm.s32 $_size_execute0_lowered;
	s4 =	sadd.s32 s4, s5;
	[dreg:$0x0] =	wrdreg $0x0  }
0xae: {  	s5 =	sshll.u32 s28, $0x1;
	[dreg:$0x2] =	wrdreg s4  }
0xaf: {  	[dreg:$0x3] =	wrdreg s5  }
0xb0: {  	[dreg:$0x4] =	wrdreg $0xC0  }
0xb1: {  	_ =	task [dreg:s8], $0x5FFFF  }
0xb2: {  	[dreg:$0x1] =	wrdreg $0xFFFFFFFF  }
0xb3: {  	[dreg:$0x0] =	wrdreg $0x60  }
0xb4: {  	[dreg:$0x2] =	wrdreg s16  }
0xb5: {  	[dreg:$0x3] =	wrdreg s17  }
0xb6: {  	[dreg:$0x4] =	wrdreg $0x9  }
0xb7: {  	_ =	task.clear_ibuf [dreg:s8], $0x5FFFF;
	_ =	strace $0x90000046  }
0xb8: {  	s29 =	simm.s32 $0x9;
	_ =	strace $0x80000048  }
0xb9: {  	_ =	swait.ge [sflag:s29], $0x1  }
0xba: {  	[sflag:s29] =	ssyncadd.s32 $0xFFFFFFFF  }
0xbb: {  	_ =	strace $0x90000048  }
0xbc: {  	_ =	sfence  }
0xbd: {  	s30 =	sld [smem:$0x0];
	_ =	sdelay $0x2  }
0xbe: {  	s31 =	sshll.u32 s1, $0xD;
	s1 =	sshrl.u32 s1, $0x2  }
0xbf: {  	s3 =	sand.u32 $0x4000, s31;
	s1 =	sadd.s32 s1, s30  }
0xc0: {  	s0 =	sor.u32 s3, s0;
	s1 =	sshll.u32 s1, $0x11  }
0xc1: {  	s0 =	sor.u32 s1, s0  }
0xc2: {  	s0 =	sadd.s32 $0x8F2B, s0  }
0xc3: {  	[sflag:s0] =	ssyncadd.remote.s32 $0x1  }
0xc4: {  	_ =	sfence.sel $0xFFFF  }
0xc5: {  	[dreg:$0x0] =	wrdreg $0xFFFFFFFF;
	(pc) =	sbr.abs _section_cstart, $3  }
0xc6: {  	[dreg:$0x1] =	wrdreg $0xFFFFFFFF  }
0xc7: {  	_ =	task.clear_ibuf [dreg:s8], $0x2FFFF;
	_ =	strace $0x9FFFFFFF  }
0xc8: {  	(tm) =	ssettm $0x7FFFFFFF  }
0xc9: {  	_ =	shalt  }
tec
execute0_lowered:
.L_overlay_start_1:
0x0: {  	(tag) =	ssettag $0x1  }
0x1: {  	s8 =	rddreg [dreg:$0x0]  }
0x2: {  	s11 =	rddreg [dreg:$0x1]  }
0x3: {  	s0 =	rddreg [dreg:$0x2];
	s2 =	simm.s32 $0x0;
	s3 =	srdreg.scid  }
0x4: {  	s1 =	stileid.u32;
	[smem:$0x7FF] =	sst s2  }
0x5: {  	v0 =	vimm.f32 $1.024000000e+03;
	s14 =	simm.s32 $0x400;
	s15 =	simm.s32 $0x8400;
	_ =	strace $0x80000047  }
0x6: {  	s16 =	simm.s32 $0x10400;
	s17 =	simm.s32 $0x7;
	s18 =	simm.s32 $0x200;
	(erf) = vrcp.f32 v0  }
0x7: {  	s19 =	simm.s32 $0x1;
	s20 =	simm.s32 $0x4;
	s21 =	simm.s32 $0x2  }
0x8: {  	s22 =	simm.s32 $0x3;
	s23 =	simm.s32 $0x5;
	s3 =	sand.u32 $0x1, s3  }
0x9: {  	s5 =	sshll.u32 s1, $0xF;
	s4 =	ssub.s32 $0x2, s3;
	s3 =	sshll.u32 s3, $0x6  }
0xa: {  	s24 =	simm.s32 $0x6;
	s6 =	sshrl.u32 s4, $0x1;
	s7 =	sor.u32 s3, s5  }
0xb: {  	s12 =	ssub.s32 s4, s6;
	s9 =	sor.u32 $0x10, s7;
	s3 =	sadd.s32 s8, s7  }
0xc: {  	s10 =	sor.u32 $0x20, s7;
	s13 =	sor.u32 $0x30, s7;
	s7 =	sadd.s32 s11, s7  }
0xd: {  	s4 =	sadd.s32 s8, s9;
	s5 =	sadd.s32 s8, s10;
	s6 =	sadd.s32 $0x4000, s3  }
0xe: {  	s8 =	sadd.s32 s8, s13;
	s9 =	sadd.s32 s11, s9;
	s10 =	sadd.s32 s11, s10  }
0xf: {  	s11 =	sadd.s32 s11, s13;
	s12 =	smax.u32 s12, $0x1;
	s13 =	simm.s32 $0x80;
	v0 =	vpop (erf)  }
.LBB2_1:
0x10: {  	[tilespmem:s14], [sflag:$0x1] =	stream.strided.gather [hbm4b:s3+s13], $0x8000, s14, s13, $0x38;
	[tilespmem:$0x18400] =	vst v63  }
0x11: {  	_ = 	snop  }
0x12: {  	[tilespmem:s15], [sflag:$0x2] =	stream.strided.gather [hbm4b:s4+s13], $0x8000, s14, s13, $0x38;
	[tilespmem:$0x18400] =	vst v63  }
0x13: {  	_ = 	snop  }
0x14: {  	[tilespmem:s16], [sflag:$0x3] =	stream.strided.gather [hbm4b:s5+s13], $0x8000, s14, s13, $0x38;
	[tilespmem:$0x18400] =	vst v63  }
0x15: {  	_ = 	snop  }
0x16: {  	[tilespmem:s2], [sflag:$0x7] =	stream.linear.gather [hbm4b:s3+s2], $0x200, $0x38;
	[tilespmem:$0x18400] =	vst v63  }
0x17: {  	_ =	swait.ge [sflag:s17], $0x200  }
0x18: {  	[sflag:s17] =	ssyncset.done $0x0  }
0x19: {  	[sflag:s17] =	ssyncadd.s32 $0xFFFFFE00  }
0x1a: {  	[tilespmem:s18], [sflag:$0x7] =	stream.linear.gather [hbm4b:s6+s2], $0x200, $0x38;
	[tilespmem:$0x18400] =	vst v63  }
0x1b: {  	_ =	swait.ge [sflag:s17], $0x200  }
0x1c: {  	[sflag:s17] =	ssyncset.done $0x0  }
0x1d: {  	[sflag:s17] =	ssyncadd.s32 $0xFFFFFE00  }
0x1e: {  	v1 =	vld [tilespmem:$0x0]  }
0x1f: {  	v2 =	vld [tilespmem:$0x200]  }
0x20: {  	v9 =	vld [tilespmem:$0x100]  }
0x21: {  	v41 =	vld [tilespmem:$0x300]  }
0x22: {  	v13 =	vld [tilespmem:$0x180]  }
0x23: {  	v46 =	vld [tilespmem:$0x380];
	_ =	sdelay $0x3  }
0x24: {  	v3 =	vadd.f32 v2, v1;
	v1 =	vadd.f32 $1.024000000e+03, v1  }
0x25: {  	v6 =	vld [tilespmem:$0x80];
	v43 =	vadd.f32 v41, v9;
	v49 =	vadd.f32 v46, v13  }
0x26: {  	v9 =	vadd.f32 $1.024000000e+03, v9;
	v4 =	vand.u32 $0x7FFFFFFF, v3;
	v1 =	vsub.f32 v1, v2;
	v2 =	vld [tilespmem:$0x280]  }
0x27: {  	v12 =	vand.u32 $0x7FFFFFFF, v43;
	v52 =	vand.u32 $0x7FFFFFFF, v49;
	v5 =	vmul.f32 v4, v0  }
0x28: {  	v45 =	vmul.f32 v12, v0;
	v14 =	vmul.f32 v52, v0;
	v38 =	vand.u32 $0x7FFFFFFF, v1  }
0x29: {  	v50 =	vadd.f32 $1.024000000e+03, v13;
	v5 =	vfloor.f32 v5;
	v7 =	vmul.f32 v38, v0  }
0x2a: {  	v3 =	vand.u32 $0x80000000, v3;
	v14 =	vfloor.f32 v14;
	v5 =	vmul.f32 $1.024000000e+03, v5  }
0x2b: {  	v1 =	vand.u32 $0x80000000, v1;
	v14 =	vmul.f32 $1.024000000e+03, v14;
	v8 =	vadd.f32 v2, v6  }
0x2c: {  	v7 =	vfloor.f32 v7;
	v6 =	vadd.f32 $1.024000000e+03, v6;
	v4 =	vsub.f32 v4, v5  }
0x2d: {  	v7 =	vmul.f32 $1.024000000e+03, v7;
	v55 =	vsub.f32 v52, v14;
	v39 =	vand.u32 $0x7FFFFFFF, v8  }
0x2e: {  	v2 =	vsub.f32 v6, v2;
	v8 =	vand.u32 $0x80000000, v8;
	v6 =	vsub.f32 v9, v41  }
0x2f: {  	vm0 =	veq.f32 v4, $1.024000000e+03;
	v5 =	vsub.f32 v38, v7;
	v40 =	vmul.f32 v39, v0  }
0x30: {  	vm11 =	veq.f32 v55, $1.024000000e+03;
	v4 =	vsel vm0, $0x0, v4;
	v11 =	vand.u32 $0x7FFFFFFF, v2  }
0x31: {  	v2 =	vand.u32 $0x80000000, v2;
	v9 =	vand.u32 $0x7FFFFFFF, v6;
	v6 =	vand.u32 $0x80000000, v6  }
0x32: {  	v4 =	vand.u32 $0x7FFFFFFF, v4;
	vm1 =	veq.f32 v5, $1.024000000e+03;
	v7 =	vfloor.f32 v40  }
0x33: {  	v42 =	vmul.f32 v11, v0;
	v51 =	vmul.f32 v9, v0;
	v5 =	vsel vm1, $0x0, v5  }
0x34: {  	v3 =	vor.u32 v3, v4;
	v7 =	vmul.f32 $1.024000000e+03, v7;
	v5 =	vand.u32 $0x7FFFFFFF, v5  }
0x35: {  	vm14 =	vlt.f32 v3, $0.0e+00;
	v10 =	vadd.f32 $1.024000000e+03, v3;
	v1 =	vor.u32 v1, v5  }
0x36: {  	v4 =	vsub.f32 v39, v7;
	v5 =	vfloor.f32 v42;
	v7 =	vand.u32 $0x80000000, v43  }
0x37: {  	v3 =	vsel vm14, v10, v3;
	vm15 =	vlt.f32 v1, $0.0e+00;
	v5 =	vmul.f32 $1.024000000e+03, v5  }
0x38: {  	v44 =	vadd.f32 $1.024000000e+03, v1;
	v10 =	vsub.f32 v50, v46;
	vm4 =	veq.f32 v4, $1.024000000e+03  }
0x39: {  	v3 =	vadd.f32 $1.000000000e+00, v3;
	v4 =	vsel vm4, $0x0, v4;
	v5 =	vsub.f32 v11, v5  }
0x3a: {  	v1 =	vsel vm15, v44, v1;
	v15 =	vand.u32 $0x7FFFFFFF, v10;
	v61 =	vand.u32 $0x80000000, v10  }
0x3b: {  	v4 =	vand.u32 $0x7FFFFFFF, v4;
	v16 =	vmul.f32 v15, v0;
	v1 =	vadd.f32 $1.000000000e+00, v1  }
0x3c: {  	v4 =	vor.u32 v8, v4;
	vm6 =	veq.f32 v5, $1.024000000e+03;
	v8 =	vfloor.f32 v45  }
0x3d: {  	v47 =	vadd.f32 $1.024000000e+03, v4;
	v5 =	vsel vm6, $0x0, v5;
	v8 =	vmul.f32 $1.024000000e+03, v8  }
0x3e: {  	vm5 =	vlt.f32 v4, $0.0e+00;
	v57 =	vfloor.f32 v16;
	v5 =	vand.u32 $0x7FFFFFFF, v5  }
0x3f: {  	v4 =	vsel vm5, v47, v4;
	v2 =	vor.u32 v2, v5;
	v48 =	vsub.f32 v12, v8  }
0x40: {  	v12 =	vfloor.f32 v51;
	v8 =	vand.u32 $0x80000000, v49;
	v53 =	vadd.f32 $1.024000000e+03, v2  }
0x41: {  	vm7 =	vlt.f32 v2, $0.0e+00;
	v12 =	vmul.f32 $1.024000000e+03, v12;
	vm8 =	veq.f32 v48, $1.024000000e+03  }
0x42: {  	v4 =	vadd.f32 $1.000000000e+00, v4;
	v5 =	vsel vm8, $0x0, v48;
	v2 =	vsel vm7, v53, v2  }
0x43: {  	v54 =	vsub.f32 v9, v12;
	v12 =	vmul.f32 $1.024000000e+03, v57;
	v9 =	vsel vm11, $0x0, v55  }
0x44: {  	v5 =	vand.u32 $0x7FFFFFFF, v5;
	v9 =	vand.u32 $0x7FFFFFFF, v9;
	v2 =	vadd.f32 $1.000000000e+00, v2  }
0x45: {  	v5 =	vor.u32 v7, v5;
	vm10 =	veq.f32 v54, $1.024000000e+03;
	v58 =	vsub.f32 v15, v12  }
0x46: {  	v59 =	vor.u32 v8, v9;
	v56 =	vadd.f32 $1.024000000e+03, v5;
	vm9 =	vlt.f32 v5, $0.0e+00  }
0x47: {  	v7 =	vsel vm10, $0x0, v54;
	v62 =	vadd.f32 $1.024000000e+03, v59;
	vm12 =	veq.f32 v58, $1.024000000e+03  }
0x48: {  	[tilespmem:$0x0] =	vst v3;
	vm14 =	vlt.f32 v59, $0.0e+00;
	v7 =	vand.u32 $0x7FFFFFFF, v7;
	v60 =	vsel vm12, $0x0, v58  }
0x49: {  	[tilespmem:$0x200] =	vst v1;
	v5 =	vsel vm9, v56, v5;
	v6 =	vor.u32 v6, v7;
	v8 =	vand.u32 $0x7FFFFFFF, v60  }
0x4a: {  	[tilespmem:$0x280] =	vst v2;
	v2 =	vsel vm14, v62, v59;
	v3 =	vadd.f32 $1.024000000e+03, v6;
	v1 =	vor.u32 v61, v8  }
0x4b: {  	v5 =	vadd.f32 $1.000000000e+00, v5;
	vm13 =	vlt.f32 v6, $0.0e+00;
	v63 =	vadd.f32 $1.024000000e+03, v1  }
0x4c: {  	[tilespmem:$0x80] =	vst v4;
	v2 =	vadd.f32 $1.000000000e+00, v2;
	v3 =	vsel vm13, v3, v6;
	vm15 =	vlt.f32 v1, $0.0e+00  }
0x4d: {  	[tilespmem:$0x100] =	vst v5;
	v3 =	vadd.f32 $1.000000000e+00, v3;
	v1 =	vsel vm15, v63, v1  }
0x4e: {  	[tilespmem:$0x180] =	vst v2;
	v1 =	vadd.f32 $1.000000000e+00, v1  }
0x4f: {  	[tilespmem:$0x300] =	vst v3  }
0x50: {  	[tilespmem:$0x380] =	vst v1  }
0x51: {  	_ =	swait.ge [sflag:s19], $0x8000  }
0x52: {  	[sflag:s19] =	ssyncset.done $0x0  }
0x53: {  	[sflag:s19] =	ssyncadd.s32 $0xFFFF8000  }
0x54: {  	v1 =	vld [tilespmem:$0x0]  }
0x55: {  	v2 =	vld [tilespmem:$0x200];
	_ =	sdelay $0x3  }
0x56: {  	[tilespmem:$0x400] =	vst v1  }
0x57: {  	[tilespmem:$0x4400] =	vst v2  }
0x58: {  	[hbm4b:s7+s13] =	stream.strided.scatter [tilespmem:s14], [sflag:$0x4], $0x8000, s14, s13, $0x38;
	[tilespmem:$0x18400] =	vst v63  }
0x59: {  	_ =	swait.ge [sflag:s20], $0x8000  }
0x5a: {  	[sflag:s20] =	ssyncset.done $0x0  }
0x5b: {  	[sflag:s20] =	ssyncadd.s32 $0xFFFF8000  }
0x5c: {  	[tilespmem:s14], [sflag:$0x1] =	stream.strided.gather [hbm4b:s8+s13], $0x8000, s14, s13, $0x38;
	[tilespmem:$0x18400] =	vst v63  }
0x5d: {  	_ =	swait.ge [sflag:s21], $0x8000  }
0x5e: {  	[sflag:s21] =	ssyncset.done $0x0  }
0x5f: {  	[sflag:s21] =	ssyncadd.s32 $0xFFFF8000  }
0x60: {  	v1 =	vld [tilespmem:$0x80]  }
0x61: {  	v2 =	vld [tilespmem:$0x280];
	_ =	sdelay $0x3  }
0x62: {  	[tilespmem:$0x8400] =	vst v1  }
0x63: {  	[tilespmem:$0xC400] =	vst v2  }
0x64: {  	[hbm4b:s9+s13] =	stream.strided.scatter [tilespmem:s15], [sflag:$0x5], $0x8000, s14, s13, $0x38;
	[tilespmem:$0x18400] =	vst v63  }
0x65: {  	_ =	swait.ge [sflag:s22], $0x8000  }
0x66: {  	[sflag:s22] =	ssyncset.done $0x0  }
0x67: {  	[sflag:s22] =	ssyncadd.s32 $0xFFFF8000  }
0x68: {  	v1 =	vld [tilespmem:$0x100]  }
0x69: {  	v2 =	vld [tilespmem:$0x300];
	_ =	sdelay $0x3  }
0x6a: {  	[tilespmem:$0x10400] =	vst v1  }
0x6b: {  	[tilespmem:$0x14400] =	vst v2  }
0x6c: {  	[hbm4b:s10+s13] =	stream.strided.scatter [tilespmem:s16], [sflag:$0x6], $0x8000, s14, s13, $0x38;
	[tilespmem:$0x18400] =	vst v63  }
0x6d: {  	_ =	swait.ge [sflag:s19], $0x8000  }
0x6e: {  	[sflag:s19] =	ssyncset.done $0x0  }
0x6f: {  	[sflag:s19] =	ssyncadd.s32 $0xFFFF8000  }
0x70: {  	v1 =	vld [tilespmem:$0x180]  }
0x71: {  	v2 =	vld [tilespmem:$0x380];
	_ =	sdelay $0x3  }
0x72: {  	[tilespmem:$0x400] =	vst v1  }
0x73: {  	[tilespmem:$0x4400] =	vst v2  }
0x74: {  	[hbm4b:s11+s13] =	stream.strided.scatter [tilespmem:s14], [sflag:$0x4], $0x8000, s14, s13, $0x38;
	[tilespmem:$0x18400] =	vst v63  }
0x75: {  	_ =	swait.ge [sflag:s23], $0x8000  }
0x76: {  	[sflag:s23] =	ssyncset.done $0x0  }
0x77: {  	[sflag:s23] =	ssyncadd.s32 $0xFFFF8000  }
0x78: {  	p0 =	sne.s32 s12, $0x1;
	_ =	swait.ge [sflag:s24], $0x8000  }
.Ltmp0:
0x79: {  	[sflag:s24] =	ssyncset.done $0x0;
	(pc) =	sbr.rel @p0 .LBB2_1-.Ltmp0, $4  }
0x7a: {  	[sflag:s24] =	ssyncadd.s32 $0xFFFF8000  }
0x7b: {  	_ =	swait.ge [sflag:s20], $0x8000  }
0x7c: {  	[sflag:s20] =	ssyncset.done $0x0  }
0x7d: {  	s12 =	sadd.s32 $0xFFFFFFFF, s12;
	[sflag:s20] =	ssyncadd.s32 $0xFFFF8000  }
0x7e: {  	_ =	sfence.sel $0x180000  }
0x7f: {  	[bflag:$0x0] =	sbarrier.arrive $0xFFFF  }
0x80: {  	p0 =	sne.s32 s1, $0x0;
	_ =	strace $0x90000047  }
0x81: {  	s0 =	sadd.s32 @!p0 $0x100000, s0;
	[bflag:$0x2] =	sbarrier.arrive $0xFFFF  }
0x82: {  	[sflag:s0] =	ssyncadd.tile.s32 @!p0 $0x1;
	_ =	shalt  }
.Lfunc_end2:
_tile_overlayer_lowered:
.L_overlay_start_2:
0x83: {  	(tag) =	ssettag $0x2  }
0x84: {  	s0 =	rddreg [dreg:$0x0];
	s2 =	stileid.u32  }
0x85: {  	s1 =	rddreg [dreg:$0x1];
	p0 =	sne.s32 s2, $0x0  }
0x86: {  	s3 =	rddreg [dreg:$0x2];
	[bflag:$0x3] =	sbarrier.arrive $0xFFFF;
	s2 =	simm.s32 @!p0 $0x1C07  }
0x87: {  	[timem:s3], [sflag:s2] =	dma.local @!p0 [hbm:s0], s1  }
0x88: {  	s0 =	simm.s32 @!p0 $0x7  }
0x89: {  	_ =	swait.ge @!p0 [sflag:s0], s1  }
0x8a: {  	s1 =	ssub.s32 @!p0 $0x0, s1;
	[sflag:s0] =	ssyncset.done @!p0 $0x0  }
0x8b: {  	[sflag:s0] =	ssyncadd.s32 @!p0 s1  }
0x8c: {  	[bflag:$0x3] =	sbarrier.arrive $0xFFFF  }
0x8d: {  	_ =	shalt  }

</sc_bundles>
